<compile_context>
chip_gen: v7x
topology: tpu7x:2x2x1
jax: 0.10.2.dev20260603
libtpu: 0.0.44.dev20260713+nightly
codegen_flags: <defaults>
</compile_context>

<pallas_src>
import jax
import jax.numpy as jnp
from jax import lax
from jax.experimental import pallas as pl
from jax.experimental.pallas import tpu as pltpu
from jax.experimental.pallas import tpu_sc as plsc

N_NODES = 10000
D_IN = 128
N_EDGES = 320000
CHUNK = 80
N_CHUNKS = N_EDGES // CHUNK
NW = 32
CPW = N_CHUNKS // NW
IDXB = 25
GSPLIT = 2
ROW_CHUNKS = N_NODES // CHUNK
CROWS = N_NODES // 16


def _sc_body(x_hbm, ei_hbm, z_hbm, sum_hbm, cnt_hbm,
             acc, src_v, dst_v, rows_a, rows_b, rows_c, cnt_v,
             sems_a, sems_b, sems_c, isem, zsem, wsem):
    cid = lax.axis_index("c")
    sid = lax.axis_index("s")
    wid = sid * 2 + cid

    def idx_load(st):
        pltpu.async_copy(ei_hbm.at[0, wid, st], src_v, isem)
        pltpu.async_copy(ei_hbm.at[1, wid, st], dst_v, isem)

    def idx_wait(st):
        pltpu.make_async_copy(ei_hbm.at[0, wid, st], src_v, isem).wait()
        pltpu.make_async_copy(ei_hbm.at[1, wid, st], dst_v, isem).wait()

    pltpu.sync_copy(z_hbm, rows_a)
    idx_load(0)

    def zfire(i, carry):
        ck = sid + i * 16

        @pl.when(ck < ROW_CHUNKS)
        def _():
            pltpu.async_copy(rows_a, acc.at[pl.ds(ck * CHUNK, CHUNK)], zsem)

        return carry

    lax.fori_loop(0, (ROW_CHUNKS + 15) // 16, zfire, 0)

    zeros16 = jnp.zeros((16,), jnp.float32)

    def czero(i, carry):
        cnt_v[pl.ds(i * 16, 16)] = zeros16
        return carry

    lax.fori_loop(0, CROWS, czero, 0)

    def zdrain(i, carry):
        ck = sid + i * 16

        @pl.when(ck < ROW_CHUNKS)
        def _():
            pltpu.make_async_copy(rows_a, acc.at[pl.ds(ck * CHUNK, CHUNK)],
                                  zsem).wait()

        return carry

    lax.fori_loop(0, (ROW_CHUNKS + 15) // 16, zdrain, 0)
    plsc.subcore_barrier()

    ones16 = jnp.ones((16,), jnp.float32)

    def hist(j):
        def hbody(k, c2):
            idx = dst_v[j, pl.ds(k * 16, 16)]
            plsc.addupdate_scatter(cnt_v, [idx], ones16)
            return c2

        lax.fori_loop(0, CHUNK // 16, hbody, 0)

    H = CHUNK // GSPLIT

    def gather(j, rows, sems):
        for g in range(GSPLIT):
            pltpu.async_copy(x_hbm.at[src_v.at[j, pl.ds(g * H, H)]],
                             rows.at[pl.ds(g * H, H)], sems[g])

    def gwait(j, rows, sems):
        for g in range(GSPLIT):
            pltpu.make_async_copy(x_hbm.at[src_v.at[j, pl.ds(g * H, H)]],
                                  rows.at[pl.ds(g * H, H)], sems[g]).wait()

    bufs = ((rows_a, sems_a), (rows_b, sems_b), (rows_c, sems_c))

    def stage(st, carry):
        idx_wait(st)
        gather(0, rows_a, sems_a)
        gather(1, rows_b, sems_b)

        def step(j, r):
            rows, sems = bufs[r]
            gwait(j, rows, sems)

            @pl.when(j + 2 < IDXB)
            def _():
                nrows, nsems = bufs[(r + 2) % 3]
                gather(j + 2, nrows, nsems)

            pltpu.sync_copy(rows, acc.at[dst_v.at[j]], add=True)
            hist(j)

        def tri(t, c1):
            step(3 * t, 0)
            step(3 * t + 1, 1)
            step(3 * t + 2, 2)
            return c1

        lax.fori_loop(0, IDXB // 3, tri, 0)
        step(IDXB - 1, (IDXB - 1) % 3)

        @pl.when(st + 1 < CPW // IDXB)
        def _():
            idx_load(st + 1)

        return carry

    lax.fori_loop(0, CPW // IDXB, stage, 0)
    plsc.subcore_barrier()

    def wfire(i, carry):
        ck = sid + i * 16

        @pl.when(ck < ROW_CHUNKS)
        def _():
            pltpu.async_copy(
                acc.at[pl.ds(ck * CHUNK, CHUNK)],
                sum_hbm.at[pl.ds(cid * N_NODES + ck * CHUNK, CHUNK)],
                wsem,
            )

        return carry

    lax.fori_loop(0, (ROW_CHUNKS + 15) // 16, wfire, 0)
    pltpu.sync_copy(cnt_v, cnt_hbm.at[pl.ds(wid * N_NODES, N_NODES)])

    def wdrain(i, carry):
        ck = sid + i * 16

        @pl.when(ck < ROW_CHUNKS)
        def _():
            pltpu.make_async_copy(
                acc.at[pl.ds(ck * CHUNK, CHUNK)],
                sum_hbm.at[pl.ds(cid * N_NODES + ck * CHUNK, CHUNK)],
                wsem,
            ).wait()

        return carry

    lax.fori_loop(0, (ROW_CHUNKS + 15) // 16, wdrain, 0)


_sc_aggregate = pl.kernel(
    _sc_body,
    out_type=(
        jax.ShapeDtypeStruct((2 * N_NODES, D_IN), jnp.float32),
        jax.ShapeDtypeStruct((NW * N_NODES,), jnp.float32),
    ),
    mesh=plsc.VectorSubcoreMesh(core_axis_name="c", subcore_axis_name="s"),
    compiler_params=pltpu.CompilerParams(needs_layout_passes=False),
    scratch_types=[
        pltpu.VMEM_SHARED((N_NODES, D_IN), jnp.float32),
        pltpu.VMEM((IDXB, CHUNK), jnp.int32),
        pltpu.VMEM((IDXB, CHUNK), jnp.int32),
        pltpu.VMEM((CHUNK, D_IN), jnp.float32),
        pltpu.VMEM((CHUNK, D_IN), jnp.float32),
        pltpu.VMEM((CHUNK, D_IN), jnp.float32),
        pltpu.VMEM((N_NODES,), jnp.float32),
        [pltpu.SemaphoreType.DMA] * GSPLIT,
        [pltpu.SemaphoreType.DMA] * GSPLIT,
        [pltpu.SemaphoreType.DMA] * GSPLIT,
        pltpu.SemaphoreType.DMA,
        pltpu.SemaphoreType.DMA,
        pltpu.SemaphoreType.DMA,
    ],
)


def _tc_body(p_ref, c_ref, wg_ref, bg_ref, wf_ref, bf_ref, o_ref):
    p = p_ref[...]
    s = p[0] + p[1]
    cnt = jnp.maximum(jnp.sum(c_ref[...], axis=1), 1.0)[:, None]
    k = jax.lax.dot_general(wg_ref[...], wf_ref[...],
                            (((0,), (1,)), ((), ())),
                            preferred_element_type=jnp.float32)
    t = jnp.dot(s / cnt, k, preferred_element_type=jnp.float32)
    b = jax.lax.dot_general(bg_ref[...], wf_ref[...],
                            (((1,), (1,)), ((), ())),
                            preferred_element_type=jnp.float32)
    o_ref[...] = t + b + bf_ref[...]


def _tc_dense(partials, counts, wg, bg, wf, bf):
    R = 1000
    grid = (N_NODES // R,)
    return pl.pallas_call(
        _tc_body,
        grid=grid,
        in_specs=[
            pl.BlockSpec((2, R, D_IN), lambda i: (0, i, 0)),
            pl.BlockSpec((R, NW), lambda i: (i, 0)),
            pl.BlockSpec((D_IN, D_IN), lambda i: (0, 0)),
            pl.BlockSpec((1, D_IN), lambda i: (0, 0)),
            pl.BlockSpec((3, D_IN), lambda i: (0, 0)),
            pl.BlockSpec((1, 3), lambda i: (0, 0)),
        ],
        out_specs=pl.BlockSpec((R, 3), lambda i: (i, 0)),
        out_shape=jax.ShapeDtypeStruct((N_NODES, 3), jnp.float32),
    )(partials, counts, wg, bg, wf, bf)


@jax.jit
def kernel(x, edge_index, W_gnn, b_gnn, W_fc, b_fc):
    ei = edge_index.astype(jnp.int32).reshape(
        2, NW, CPW // IDXB, IDXB, CHUNK)
    zrow = jnp.zeros((CHUNK, D_IN), x.dtype)
    flat, cnt = _sc_aggregate(x, ei, zrow)
    partials = flat.reshape(2, N_NODES, D_IN)
    counts = cnt.reshape(NW, N_NODES).T
    return _tc_dense(partials, counts, W_gnn, b_gnn.reshape(1, D_IN),
                     W_fc, b_fc.reshape(1, 3))

# --- scband reference (transcript-rebuilt; emitter-appended) ---
"""Pipeline reference for scband-gnnlstmhybrid-2070174236908 (READ-ONLY COPY).

The authoritative reference and input builder live on the scoring server;
editing this copy changes nothing except your own understanding.
"""

import jax, jax.numpy as jnp
import numpy as np

N_NODES = 10000
N_EDGES = 320000
D_IN = 128
D_HID = 128
D_OUT = 3


def setup_inputs(seed: int = 0) -> dict:
    key = jax.random.key(seed)
    k1, k2, k3, k4, k5, k6 = jax.random.split(key, 6)
    x = jax.random.normal(k1, (N_NODES, D_IN), dtype=jnp.float32)
    edge_index = jax.random.randint(k2, (2, N_EDGES), 0, N_NODES, dtype=jnp.int64)
    # GNNLayer linear: Linear(D_IN, D_HID)
    lim1 = 1.0 / np.sqrt(D_IN)
    W_gnn = jax.random.uniform(k3, (D_HID, D_IN), minval=-lim1, maxval=lim1, dtype=jnp.float32)
    b_gnn = jax.random.uniform(k4, (D_HID,), minval=-lim1, maxval=lim1, dtype=jnp.float32)
    # final fc: Linear(D_HID, 3)
    lim2 = 1.0 / np.sqrt(D_HID)
    W_fc = jax.random.uniform(k5, (D_OUT, D_HID), minval=-lim2, maxval=lim2, dtype=jnp.float32)
    b_fc = jax.random.uniform(k6, (D_OUT,), minval=-lim2, maxval=lim2, dtype=jnp.float32)
    return {"x": x, "edge_index": edge_index, "W_gnn": W_gnn, "b_gnn": b_gnn, "W_fc": W_fc, "b_fc": b_fc}


def reference(x, edge_index, W_gnn, b_gnn, W_fc, b_fc):
    # MessagePassing with aggr='mean', flow source_to_target:
    # messages are x[src]; aggregated by mean at dst nodes.
    src = edge_index[0]
    dst = edge_index[1]
    n = x.shape[0]
    msgs = jnp.take(x, src, axis=0)  # gather [E, D_IN]
    summed = jax.ops.segment_sum(msgs, dst, num_segments=n)  # scatter-add
    ones = jnp.ones((msgs.shape[0],), dtype=x.dtype)
    counts = jax.ops.segment_sum(ones, dst, num_segments=n)
    aggr = summed / jnp.clip(counts, 1.0, None)[:, None]  # mean; isolated nodes -> 0
    # update: fc(aggr_out)
    h = aggr @ W_gnn.T + b_gnn
    # outer fc -> 3 classes
    out = h @ W_fc.T + b_fc
    return out

if __name__ == "__main__":
    import jax
    _d = setup_inputs()
    print(jax.jit(kernel)(*tuple(_d.values())))

</pallas_src>

<mosaic_0001>
#map = affine_map<(d0, d1) -> (0, 0)>
#map1 = affine_map<(d0, d1) -> (0, 0, 0, 0, 0)>
#map2 = affine_map<(d0, d1) -> (0)>
module attributes {stable_mosaic.version = 14 : i64} {
  func.func @_sc_body(%arg0: i32, %arg1: i32, %arg2: memref<10000x128xf32, #tpu.memory_space<hbm>>, %arg3: memref<2x32x5x25x80xi32, #tpu.memory_space<hbm>>, %arg4: memref<80x128xf32, #tpu.memory_space<hbm>>, %arg5: memref<20000x128xf32, #tpu.memory_space<hbm>>, %arg6: memref<320000xf32, #tpu.memory_space<hbm>>, %arg7: memref<10000x128xf32, #tpu.memory_space<vmem_shared>>, %arg8: memref<25x80xi32, #tpu.memory_space<vmem>>, %arg9: memref<25x80xi32, #tpu.memory_space<vmem>>, %arg10: memref<80x128xf32, #tpu.memory_space<vmem>>, %arg11: memref<80x128xf32, #tpu.memory_space<vmem>>, %arg12: memref<80x128xf32, #tpu.memory_space<vmem>>, %arg13: memref<10000xf32, #tpu.memory_space<vmem>>, %arg14: memref<!tpu.dma_semaphore, #tpu.memory_space<semaphore_mem>>, %arg15: memref<!tpu.dma_semaphore, #tpu.memory_space<semaphore_mem>>, %arg16: memref<!tpu.dma_semaphore, #tpu.memory_space<semaphore_mem>>, %arg17: memref<!tpu.dma_semaphore, #tpu.memory_space<semaphore_mem>>, %arg18: memref<!tpu.dma_semaphore, #tpu.memory_space<semaphore_mem>>, %arg19: memref<!tpu.dma_semaphore, #tpu.memory_space<semaphore_mem>>, %arg20: memref<!tpu.dma_semaphore, #tpu.memory_space<semaphore_mem>>, %arg21: memref<!tpu.dma_semaphore, #tpu.memory_space<semaphore_mem>>, %arg22: memref<!tpu.dma_semaphore, #tpu.memory_space<semaphore_mem>>) attributes {dimension_semantics = [#tpu.dimension_semantics<core_parallel>, #tpu.dimension_semantics<subcore_parallel>], iteration_bounds = array<i64: 2, 16>, scalar_prefetch = 0 : i64, scratch_operands = 16 : i64, tpu.core_type = #tpu.core_type<sc_vector_subcore>, window_params = [{transform_indices = #map}, {transform_indices = #map1}, {transform_indices = #map}, {transform_indices = #map}, {transform_indices = #map2}]} {
    %mul3A = arith.constant 2 : i32
    %mul3A_0 = arith.muli %arg1, %mul3A : i32
    %add3A = arith.addi %mul3A_0, %arg0 : i32
    "tpu.region"() ({
      %run_scoped3A = tpu.sem_alloc : memref<!tpu.dma_semaphore, #tpu.memory_space<semaphore_mem>>
      tpu.enqueue_dma source(%arg4 : memref<80x128xf32, #tpu.memory_space<hbm>>) target(%arg10 : memref<80x128xf32, #tpu.memory_space<vmem>>) target_semaphore(%run_scoped3A : memref<!tpu.dma_semaphore, #tpu.memory_space<semaphore_mem>>)
      tpu.wait_dma2 semaphore(%run_scoped3A : memref<!tpu.dma_semaphore, #tpu.memory_space<semaphore_mem>>) src(%arg4 : memref<80x128xf32, #tpu.memory_space<hbm>>) dst(%arg10 : memref<80x128xf32, #tpu.memory_space<vmem>>)
      tpu.yield
    }) : () -> ()
    %dma_start3A = arith.constant 0 : i32
    %dma_start3A_1 = arith.constant 0 : i32
    %dma_start3A_2 = arith.constant 0 : i32
    %dma_start3A_3 = arith.constant 0 : i32
    %dma_start3A_4 = tpu.memref_slice %arg3[%dma_start3A, %add3A, %dma_start3A_1, %dma_start3A_2, %dma_start3A_3] : memref<2x32x5x25x80xi32, #tpu.memory_space<hbm>> -> memref<1x1x1x25x80xi32, #tpu.memory_space<hbm>>
    %dma_start3A_5 = tpu.memref_squeeze %dma_start3A_4 : memref<1x1x1x25x80xi32, #tpu.memory_space<hbm>> -> memref<25x80xi32, #tpu.memory_space<hbm>>
    %dma_start3A_6 = arith.constant 0 : i32
    %dma_start3A_7 = arith.constant 0 : i32
    %dma_start3A_8 = tpu.memref_slice %arg3[%dma_start3A, %add3A, %dma_start3A_1, %dma_start3A_6, %dma_start3A_7] : memref<2x32x5x25x80xi32, #tpu.memory_space<hbm>> -> memref<1x1x1x25x80xi32, #tpu.memory_space<hbm>>
    %dma_start3A_9 = tpu.memref_squeeze %dma_start3A_8 : memref<1x1x1x25x80xi32, #tpu.memory_space<hbm>> -> memref<25x80xi32, #tpu.memory_space<hbm>>
    tpu.enqueue_dma source(%dma_start3A_9 : memref<25x80xi32, #tpu.memory_space<hbm>>) target(%arg8 : memref<25x80xi32, #tpu.memory_space<vmem>>) target_semaphore(%arg20 : memref<!tpu.dma_semaphore, #tpu.memory_space<semaphore_mem>>)
    %dma_start3A_10 = arith.constant 1 : i32
    %dma_start3A_11 = arith.constant 0 : i32
    %dma_start3A_12 = arith.constant 0 : i32
    %dma_start3A_13 = arith.constant 0 : i32
    %dma_start3A_14 = tpu.memref_slice %arg3[%dma_start3A_10, %add3A, %dma_start3A_11, %dma_start3A_12, %dma_start3A_13] : memref<2x32x5x25x80xi32, #tpu.memory_space<hbm>> -> memref<1x1x1x25x80xi32, #tpu.memory_space<hbm>>
    %dma_start3A_15 = tpu.memref_squeeze %dma_start3A_14 : memref<1x1x1x25x80xi32, #tpu.memory_space<hbm>> -> memref<25x80xi32, #tpu.memory_space<hbm>>
    %dma_start3A_16 = arith.constant 0 : i32
    %dma_start3A_17 = arith.constant 0 : i32
    %dma_start3A_18 = tpu.memref_slice %arg3[%dma_start3A_10, %add3A, %dma_start3A_11, %dma_start3A_16, %dma_start3A_17] : memref<2x32x5x25x80xi32, #tpu.memory_space<hbm>> -> memref<1x1x1x25x80xi32, #tpu.memory_space<hbm>>
    %dma_start3A_19 = tpu.memref_squeeze %dma_start3A_18 : memref<1x1x1x25x80xi32, #tpu.memory_space<hbm>> -> memref<25x80xi32, #tpu.memory_space<hbm>>
    tpu.enqueue_dma source(%dma_start3A_19 : memref<25x80xi32, #tpu.memory_space<hbm>>) target(%arg9 : memref<25x80xi32, #tpu.memory_space<vmem>>) target_semaphore(%arg20 : memref<!tpu.dma_semaphore, #tpu.memory_space<semaphore_mem>>)
    %scan3A = arith.constant 0 : i32
    %scan3A_20 = arith.constant 0 : i32
    %scan3A_21 = arith.constant 8 : i32
    %scan3A_22 = arith.addi %scan3A_20, %scan3A_21 : i32
    %scan3A_23 = arith.constant 1 : i32
    scf.for %scan3A_61 = %scan3A_20 to %scan3A_22 step %scan3A_23  : i32 {
      %mul3A_62 = arith.constant 16 : i32
      %mul3A_63 = arith.muli %scan3A_61, %mul3A_62 : i32
      %add3A_64 = arith.addi %arg1, %mul3A_63 : i32
      %lt3A = arith.constant 125 : i32
      %lt3A_65 = arith.cmpi slt, %add3A_64, %lt3A : i32
      %convert_element_type3A = arith.extui %lt3A_65 : i1 to i32
      %cond3A = arith.constant 0 : i32
      %cond3A_66 = arith.cmpi ne, %convert_element_type3A, %cond3A : i32
      scf.if %cond3A_66 {
        %mul3A_67 = arith.constant 80 : i32
        %mul3A_68 = arith.muli %add3A_64, %mul3A_67 : i32
        %dma_start3A_69 = arith.constant 0 : i32
        %dma_start3A_70 = tpu.memref_slice %arg7[%mul3A_68, %dma_start3A_69] : memref<10000x128xf32, #tpu.memory_space<vmem_shared>> -> memref<80x128xf32, #tpu.memory_space<vmem_shared>>
        %dma_start3A_71 = arith.constant 0 : i32
        %dma_start3A_72 = tpu.memref_slice %arg7[%mul3A_68, %dma_start3A_71] : memref<10000x128xf32, #tpu.memory_space<vmem_shared>> -> memref<80x128xf32, #tpu.memory_space<vmem_shared>>
        tpu.enqueue_dma source(%arg10 : memref<80x128xf32, #tpu.memory_space<vmem>>) target(%dma_start3A_72 : memref<80x128xf32, #tpu.memory_space<vmem_shared>>) target_semaphore(%arg21 : memref<!tpu.dma_semaphore, #tpu.memory_space<semaphore_mem>>)
      } else {
      }
    }
    %scan3A_24 = arith.constant 8 : i32
    %broadcast_in_dim3A = arith.constant 0.000000e+00 : f32
    %broadcast_in_dim3A_25 = vector.broadcast %broadcast_in_dim3A : f32 to vector<16xf32>
    %scan3A_26 = arith.constant 0 : i32
    %scan3A_27 = arith.constant 0 : i32
    %scan3A_28 = arith.constant 625 : i32
    %scan3A_29 = arith.addi %scan3A_27, %scan3A_28 : i32
    %scan3A_30 = arith.constant 1 : i32
    scf.for %scan3A_61 = %scan3A_27 to %scan3A_29 step %scan3A_30  : i32 {
      %mul3A_62 = arith.constant 16 : i32
      %mul3A_63 = arith.muli %scan3A_61, %mul3A_62 : i32
      %swap3A = arith.index_cast %mul3A_63 : i32 to index
      %swap3A_64 = tpu.vector_load %arg13[%swap3A] {strides = array<i32>} : memref<10000xf32, #tpu.memory_space<vmem>>, vector<16xf32>,
      tpu.vector_store %arg13[%swap3A], %broadcast_in_dim3A_25 {strides = array<i32>} : memref<10000xf32, #tpu.memory_space<vmem>>, vector<16xf32>,
    }
    %scan3A_31 = arith.constant 625 : i32
    %scan3A_32 = arith.constant 0 : i32
    %scan3A_33 = arith.constant 0 : i32
    %scan3A_34 = arith.constant 8 : i32
    %scan3A_35 = arith.addi %scan3A_33, %scan3A_34 : i32
    %scan3A_36 = arith.constant 1 : i32
    scf.for %scan3A_61 = %scan3A_33 to %scan3A_35 step %scan3A_36  : i32 {
      %mul3A_62 = arith.constant 16 : i32
      %mul3A_63 = arith.muli %scan3A_61, %mul3A_62 : i32
      %add3A_64 = arith.addi %arg1, %mul3A_63 : i32
      %lt3A = arith.constant 125 : i32
      %lt3A_65 = arith.cmpi slt, %add3A_64, %lt3A : i32
      %convert_element_type3A = arith.extui %lt3A_65 : i1 to i32
      %cond3A = arith.constant 0 : i32
      %cond3A_66 = arith.cmpi ne, %convert_element_type3A, %cond3A : i32
      scf.if %cond3A_66 {
        %mul3A_67 = arith.constant 80 : i32
        %mul3A_68 = arith.muli %add3A_64, %mul3A_67 : i32
        %dma_wait3A = arith.constant 0 : i32
        %dma_wait3A_69 = tpu.memref_slice %arg7[%mul3A_68, %dma_wait3A] : memref<10000x128xf32, #tpu.memory_space<vmem_shared>> -> memref<80x128xf32, #tpu.memory_space<vmem_shared>>
        %dma_wait3A_70 = arith.constant 0 : i32
        %dma_wait3A_71 = tpu.memref_slice %arg7[%mul3A_68, %dma_wait3A_70] : memref<10000x128xf32, #tpu.memory_space<vmem_shared>> -> memref<80x128xf32, #tpu.memory_space<vmem_shared>>
        tpu.wait_dma2 semaphore(%arg21 : memref<!tpu.dma_semaphore, #tpu.memory_space<semaphore_mem>>) src(%arg10 : memref<80x128xf32, #tpu.memory_space<vmem>>) dst(%dma_wait3A_71 : memref<80x128xf32, #tpu.memory_space<vmem_shared>>)
      } else {
      }
    }
    %scan3A_37 = arith.constant 8 : i32
    %barrier3A = arith.constant 0 : index
    tpu.barrier barrier_id(%barrier3A)
    %broadcast_in_dim3A_38 = arith.constant 1.000000e+00 : f32
    %broadcast_in_dim3A_39 = vector.broadcast %broadcast_in_dim3A_38 : f32 to vector<16xf32>
    %scan3A_40 = arith.constant 0 : i32
    %scan3A_41 = arith.constant 0 : i32
    %scan3A_42 = arith.constant 5 : i32
    %scan3A_43 = arith.addi %scan3A_41, %scan3A_42 : i32
    %scan3A_44 = arith.constant 1 : i32
    scf.for %scan3A_61 = %scan3A_41 to %scan3A_43 step %scan3A_44  : i32 {
      %dma_wait3A = arith.constant 0 : i32
      %dma_wait3A_62 = arith.constant 0 : i32
      %dma_wait3A_63 = arith.constant 0 : i32
      %dma_wait3A_64 = tpu.memref_slice %arg3[%dma_wait3A, %add3A, %scan3A_61, %dma_wait3A_62, %dma_wait3A_63] : memref<2x32x5x25x80xi32, #tpu.memory_space<hbm>> -> memref<1x1x1x25x80xi32, #tpu.memory_space<hbm>>
      %dma_wait3A_65 = tpu.memref_squeeze %dma_wait3A_64 : memref<1x1x1x25x80xi32, #tpu.memory_space<hbm>> -> memref<25x80xi32, #tpu.memory_space<hbm>>
      %dma_wait3A_66 = arith.constant 0 : i32
      %dma_wait3A_67 = arith.constant 0 : i32
      %dma_wait3A_68 = tpu.memref_slice %arg3[%dma_wait3A, %add3A, %scan3A_61, %dma_wait3A_66, %dma_wait3A_67] : memref<2x32x5x25x80xi32, #tpu.memory_space<hbm>> -> memref<1x1x1x25x80xi32, #tpu.memory_space<hbm>>
      %dma_wait3A_69 = tpu.memref_squeeze %dma_wait3A_68 : memref<1x1x1x25x80xi32, #tpu.memory_space<hbm>> -> memref<25x80xi32, #tpu.memory_space<hbm>>
      tpu.wait_dma2 semaphore(%arg20 : memref<!tpu.dma_semaphore, #tpu.memory_space<semaphore_mem>>) src(%dma_wait3A_69 : memref<25x80xi32, #tpu.memory_space<hbm>>) dst(%arg8 : memref<25x80xi32, #tpu.memory_space<vmem>>)
      %dma_wait3A_70 = arith.constant 1 : i32
      %dma_wait3A_71 = arith.constant 0 : i32
      %dma_wait3A_72 = arith.constant 0 : i32
      %dma_wait3A_73 = tpu.memref_slice %arg3[%dma_wait3A_70, %add3A, %scan3A_61, %dma_wait3A_71, %dma_wait3A_72] : memref<2x32x5x25x80xi32, #tpu.memory_space<hbm>> -> memref<1x1x1x25x80xi32, #tpu.memory_space<hbm>>
      %dma_wait3A_74 = tpu.memref_squeeze %dma_wait3A_73 : memref<1x1x1x25x80xi32, #tpu.memory_space<hbm>> -> memref<25x80xi32, #tpu.memory_space<hbm>>
      %dma_wait3A_75 = arith.constant 0 : i32
      %dma_wait3A_76 = arith.constant 0 : i32
      %dma_wait3A_77 = tpu.memref_slice %arg3[%dma_wait3A_70, %add3A, %scan3A_61, %dma_wait3A_75, %dma_wait3A_76] : memref<2x32x5x25x80xi32, #tpu.memory_space<hbm>> -> memref<1x1x1x25x80xi32, #tpu.memory_space<hbm>>
      %dma_wait3A_78 = tpu.memref_squeeze %dma_wait3A_77 : memref<1x1x1x25x80xi32, #tpu.memory_space<hbm>> -> memref<25x80xi32, #tpu.memory_space<hbm>>
      tpu.wait_dma2 semaphore(%arg20 : memref<!tpu.dma_semaphore, #tpu.memory_space<semaphore_mem>>) src(%dma_wait3A_78 : memref<25x80xi32, #tpu.memory_space<hbm>>) dst(%arg9 : memref<25x80xi32, #tpu.memory_space<vmem>>)
      %dma_start3A_79 = arith.constant 0 : i32
      %dma_start3A_80 = arith.constant 0 : i32
      %dma_start3A_81 = arith.constant 0 : i32
      %dma_start3A_82 = tpu.memref_slice %arg10[%dma_start3A_80, %dma_start3A_81] : memref<80x128xf32, #tpu.memory_space<vmem>> -> memref<40x128xf32, #tpu.memory_space<vmem>>
      %dma_start3A_83 = arith.constant 0 : i32
      %dma_start3A_84 = tpu.memref_slice %arg8[%dma_start3A_79, %dma_start3A_83] : memref<25x80xi32, #tpu.memory_space<vmem>> -> memref<1x40xi32, #tpu.memory_space<vmem>>
      %dma_start3A_85 = tpu.memref_squeeze %dma_start3A_84 : memref<1x40xi32, #tpu.memory_space<vmem>> -> memref<40xi32, #tpu.memory_space<vmem>>
      %dma_start3A_86 = arith.constant 0 : i32
      %dma_start3A_87 = arith.constant 0 : i32
      %dma_start3A_88 = tpu.memref_slice %arg2[%dma_start3A_86, %dma_start3A_87] : memref<10000x128xf32, #tpu.memory_space<hbm>> -> memref<10000x128xf32, #tpu.memory_space<hbm>>
      tpu.enqueue_indirect_dma source(%dma_start3A_88 : memref<10000x128xf32, #tpu.memory_space<hbm>>) target(%dma_start3A_82 : memref<40x128xf32, #tpu.memory_space<vmem>>) offsets(%dma_start3A_85 : memref<40xi32, #tpu.memory_space<vmem>>) semaphore(%arg14 : memref<!tpu.dma_semaphore, #tpu.memory_space<semaphore_mem>>)
      %dma_start3A_89 = arith.constant 0 : i32
      %dma_start3A_90 = arith.constant 40 : i32
      %dma_start3A_91 = arith.constant 0 : i32
      %dma_start3A_92 = tpu.memref_slice %arg10[%dma_start3A_90, %dma_start3A_91] : memref<80x128xf32, #tpu.memory_space<vmem>> -> memref<40x128xf32, #tpu.memory_space<vmem>>
      %dma_start3A_93 = arith.constant 40 : i32
      %dma_start3A_94 = tpu.memref_slice %arg8[%dma_start3A_89, %dma_start3A_93] : memref<25x80xi32, #tpu.memory_space<vmem>> -> memref<1x40xi32, #tpu.memory_space<vmem>>
      %dma_start3A_95 = tpu.memref_squeeze %dma_start3A_94 : memref<1x40xi32, #tpu.memory_space<vmem>> -> memref<40xi32, #tpu.memory_space<vmem>>
      %dma_start3A_96 = arith.constant 0 : i32
      %dma_start3A_97 = arith.constant 0 : i32
      %dma_start3A_98 = tpu.memref_slice %arg2[%dma_start3A_96, %dma_start3A_97] : memref<10000x128xf32, #tpu.memory_space<hbm>> -> memref<10000x128xf32, #tpu.memory_space<hbm>>
      tpu.enqueue_indirect_dma source(%dma_start3A_98 : memref<10000x128xf32, #tpu.memory_space<hbm>>) target(%dma_start3A_92 : memref<40x128xf32, #tpu.memory_space<vmem>>) offsets(%dma_start3A_95 : memref<40xi32, #tpu.memory_space<vmem>>) semaphore(%arg15 : memref<!tpu.dma_semaphore, #tpu.memory_space<semaphore_mem>>)
      %dma_start3A_99 = arith.constant 1 : i32
      %dma_start3A_100 = arith.constant 0 : i32
      %dma_start3A_101 = arith.constant 0 : i32
      %dma_start3A_102 = tpu.memref_slice %arg11[%dma_start3A_100, %dma_start3A_101] : memref<80x128xf32, #tpu.memory_space<vmem>> -> memref<40x128xf32, #tpu.memory_space<vmem>>
      %dma_start3A_103 = arith.constant 0 : i32
      %dma_start3A_104 = tpu.memref_slice %arg8[%dma_start3A_99, %dma_start3A_103] : memref<25x80xi32, #tpu.memory_space<vmem>> -> memref<1x40xi32, #tpu.memory_space<vmem>>
      %dma_start3A_105 = tpu.memref_squeeze %dma_start3A_104 : memref<1x40xi32, #tpu.memory_space<vmem>> -> memref<40xi32, #tpu.memory_space<vmem>>
      %dma_start3A_106 = arith.constant 0 : i32
      %dma_start3A_107 = arith.constant 0 : i32
      %dma_start3A_108 = tpu.memref_slice %arg2[%dma_start3A_106, %dma_start3A_107] : memref<10000x128xf32, #tpu.memory_space<hbm>> -> memref<10000x128xf32, #tpu.memory_space<hbm>>
      tpu.enqueue_indirect_dma source(%dma_start3A_108 : memref<10000x128xf32, #tpu.memory_space<hbm>>) target(%dma_start3A_102 : memref<40x128xf32, #tpu.memory_space<vmem>>) offsets(%dma_start3A_105 : memref<40xi32, #tpu.memory_space<vmem>>) semaphore(%arg16 : memref<!tpu.dma_semaphore, #tpu.memory_space<semaphore_mem>>)
      %dma_start3A_109 = arith.constant 1 : i32
      %dma_start3A_110 = arith.constant 40 : i32
      %dma_start3A_111 = arith.constant 0 : i32
      %dma_start3A_112 = tpu.memref_slice %arg11[%dma_start3A_110, %dma_start3A_111] : memref<80x128xf32, #tpu.memory_space<vmem>> -> memref<40x128xf32, #tpu.memory_space<vmem>>
      %dma_start3A_113 = arith.constant 40 : i32
      %dma_start3A_114 = tpu.memref_slice %arg8[%dma_start3A_109, %dma_start3A_113] : memref<25x80xi32, #tpu.memory_space<vmem>> -> memref<1x40xi32, #tpu.memory_space<vmem>>
      %dma_start3A_115 = tpu.memref_squeeze %dma_start3A_114 : memref<1x40xi32, #tpu.memory_space<vmem>> -> memref<40xi32, #tpu.memory_space<vmem>>
      %dma_start3A_116 = arith.constant 0 : i32
      %dma_start3A_117 = arith.constant 0 : i32
      %dma_start3A_118 = tpu.memref_slice %arg2[%dma_start3A_116, %dma_start3A_117] : memref<10000x128xf32, #tpu.memory_space<hbm>> -> memref<10000x128xf32, #tpu.memory_space<hbm>>
      tpu.enqueue_indirect_dma source(%dma_start3A_118 : memref<10000x128xf32, #tpu.memory_space<hbm>>) target(%dma_start3A_112 : memref<40x128xf32, #tpu.memory_space<vmem>>) offsets(%dma_start3A_115 : memref<40xi32, #tpu.memory_space<vmem>>) semaphore(%arg17 : memref<!tpu.dma_semaphore, #tpu.memory_space<semaphore_mem>>)
      %scan3A_119 = arith.constant 0 : i32
      %scan3A_120 = arith.constant 0 : i32
      %scan3A_121 = arith.constant 8 : i32
      %scan3A_122 = arith.addi %scan3A_120, %scan3A_121 : i32
      %scan3A_123 = arith.constant 1 : i32
      scf.for %scan3A_155 = %scan3A_120 to %scan3A_122 step %scan3A_123  : i32 {
        %mul3A_156 = arith.constant 3 : i32
        %mul3A_157 = arith.muli %mul3A_156, %scan3A_155 : i32
        %dma_wait3A_158 = arith.constant 0 : i32
        %dma_wait3A_159 = arith.constant 0 : i32
        %dma_wait3A_160 = tpu.memref_slice %arg10[%dma_wait3A_158, %dma_wait3A_159] : memref<80x128xf32, #tpu.memory_space<vmem>> -> memref<40x128xf32, #tpu.memory_space<vmem>>
        %dma_wait3A_161 = arith.constant 0 : i32
        %dma_wait3A_162 = tpu.memref_slice %arg8[%mul3A_157, %dma_wait3A_161] : memref<25x80xi32, #tpu.memory_space<vmem>> -> memref<1x40xi32, #tpu.memory_space<vmem>>
        %dma_wait3A_163 = tpu.memref_squeeze %dma_wait3A_162 : memref<1x40xi32, #tpu.memory_space<vmem>> -> memref<40xi32, #tpu.memory_space<vmem>>
        %dma_wait3A_164 = arith.constant 0 : i32
        %dma_wait3A_165 = arith.constant 0 : i32
        %dma_wait3A_166 = tpu.memref_slice %arg2[%dma_wait3A_164, %dma_wait3A_165] : memref<10000x128xf32, #tpu.memory_space<hbm>> -> memref<10000x128xf32, #tpu.memory_space<hbm>>
        tpu.wait_indirect_dma semaphore(%arg14 : memref<!tpu.dma_semaphore, #tpu.memory_space<semaphore_mem>>) src(%dma_wait3A_166 : memref<10000x128xf32, #tpu.memory_space<hbm>>) dst(%dma_wait3A_160 : memref<40x128xf32, #tpu.memory_space<vmem>>)
        %dma_wait3A_167 = arith.constant 40 : i32
        %dma_wait3A_168 = arith.constant 0 : i32
        %dma_wait3A_169 = tpu.memref_slice %arg10[%dma_wait3A_167, %dma_wait3A_168] : memref<80x128xf32, #tpu.memory_space<vmem>> -> memref<40x128xf32, #tpu.memory_space<vmem>>
        %dma_wait3A_170 = arith.constant 40 : i32
        %dma_wait3A_171 = tpu.memref_slice %arg8[%mul3A_157, %dma_wait3A_170] : memref<25x80xi32, #tpu.memory_space<vmem>> -> memref<1x40xi32, #tpu.memory_space<vmem>>
        %dma_wait3A_172 = tpu.memref_squeeze %dma_wait3A_171 : memref<1x40xi32, #tpu.memory_space<vmem>> -> memref<40xi32, #tpu.memory_space<vmem>>
        %dma_wait3A_173 = arith.constant 0 : i32
        %dma_wait3A_174 = arith.constant 0 : i32
        %dma_wait3A_175 = tpu.memref_slice %arg2[%dma_wait3A_173, %dma_wait3A_174] : memref<10000x128xf32, #tpu.memory_space<hbm>> -> memref<10000x128xf32, #tpu.memory_space<hbm>>
        tpu.wait_indirect_dma semaphore(%arg15 : memref<!tpu.dma_semaphore, #tpu.memory_space<semaphore_mem>>) src(%dma_wait3A_175 : memref<10000x128xf32, #tpu.memory_space<hbm>>) dst(%dma_wait3A_169 : memref<40x128xf32, #tpu.memory_space<vmem>>)
        %add3A_176 = arith.constant 2 : i32
        %add3A_177 = arith.addi %mul3A_157, %add3A_176 : i32
        %lt3A_178 = arith.constant 25 : i32
        %lt3A_179 = arith.cmpi slt, %add3A_177, %lt3A_178 : i32
        %convert_element_type3A_180 = arith.extui %lt3A_179 : i1 to i32
        %cond3A_181 = arith.constant 0 : i32
        %cond3A_182 = arith.cmpi ne, %convert_element_type3A_180, %cond3A_181 : i32
        scf.if %cond3A_182 {
          %add3A_259 = arith.constant 2 : i32
          %add3A_260 = arith.addi %mul3A_157, %add3A_259 : i32
          %dma_start3A_261 = arith.constant 0 : i32
          %dma_start3A_262 = arith.constant 0 : i32
          %dma_start3A_263 = tpu.memref_slice %arg12[%dma_start3A_261, %dma_start3A_262] : memref<80x128xf32, #tpu.memory_space<vmem>> -> memref<40x128xf32, #tpu.memory_space<vmem>>
          %dma_start3A_264 = arith.constant 0 : i32
          %dma_start3A_265 = tpu.memref_slice %arg8[%add3A_260, %dma_start3A_264] : memref<25x80xi32, #tpu.memory_space<vmem>> -> memref<1x40xi32, #tpu.memory_space<vmem>>
          %dma_start3A_266 = tpu.memref_squeeze %dma_start3A_265 : memref<1x40xi32, #tpu.memory_space<vmem>> -> memref<40xi32, #tpu.memory_space<vmem>>
          %dma_start3A_267 = arith.constant 0 : i32
          %dma_start3A_268 = arith.constant 0 : i32
          %dma_start3A_269 = tpu.memref_slice %arg2[%dma_start3A_267, %dma_start3A_268] : memref<10000x128xf32, #tpu.memory_space<hbm>> -> memref<10000x128xf32, #tpu.memory_space<hbm>>
          tpu.enqueue_indirect_dma source(%dma_start3A_269 : memref<10000x128xf32, #tpu.memory_space<hbm>>) target(%dma_start3A_263 : memref<40x128xf32, #tpu.memory_space<vmem>>) offsets(%dma_start3A_266 : memref<40xi32, #tpu.memory_space<vmem>>) semaphore(%arg18 : memref<!tpu.dma_semaphore, #tpu.memory_space<semaphore_mem>>)
          %dma_start3A_270 = arith.constant 40 : i32
          %dma_start3A_271 = arith.constant 0 : i32
          %dma_start3A_272 = tpu.memref_slice %arg12[%dma_start3A_270, %dma_start3A_271] : memref<80x128xf32, #tpu.memory_space<vmem>> -> memref<40x128xf32, #tpu.memory_space<vmem>>
          %dma_start3A_273 = arith.constant 40 : i32
          %dma_start3A_274 = tpu.memref_slice %arg8[%add3A_260, %dma_start3A_273] : memref<25x80xi32, #tpu.memory_space<vmem>> -> memref<1x40xi32, #tpu.memory_space<vmem>>
          %dma_start3A_275 = tpu.memref_squeeze %dma_start3A_274 : memref<1x40xi32, #tpu.memory_space<vmem>> -> memref<40xi32, #tpu.memory_space<vmem>>
          %dma_start3A_276 = arith.constant 0 : i32
          %dma_start3A_277 = arith.constant 0 : i32
          %dma_start3A_278 = tpu.memref_slice %arg2[%dma_start3A_276, %dma_start3A_277] : memref<10000x128xf32, #tpu.memory_space<hbm>> -> memref<10000x128xf32, #tpu.memory_space<hbm>>
          tpu.enqueue_indirect_dma source(%dma_start3A_278 : memref<10000x128xf32, #tpu.memory_space<hbm>>) target(%dma_start3A_272 : memref<40x128xf32, #tpu.memory_space<vmem>>) offsets(%dma_start3A_275 : memref<40xi32, #tpu.memory_space<vmem>>) semaphore(%arg19 : memref<!tpu.dma_semaphore, #tpu.memory_space<semaphore_mem>>)
        } else {
        }
        "tpu.region"() ({
          %run_scoped3A_259 = tpu.sem_alloc : memref<!tpu.dma_semaphore, #tpu.memory_space<semaphore_mem>>
          %dma_start3A_260 = arith.constant 0 : i32
          %dma_start3A_261 = tpu.memref_slice %arg9[%mul3A_157, %dma_start3A_260] : memref<25x80xi32, #tpu.memory_space<vmem>> -> memref<1x80xi32, #tpu.memory_space<vmem>>
          %dma_start3A_262 = tpu.memref_squeeze %dma_start3A_261 : memref<1x80xi32, #tpu.memory_space<vmem>> -> memref<80xi32, #tpu.memory_space<vmem>>
          %dma_start3A_263 = arith.constant 0 : i32
          %dma_start3A_264 = arith.constant 0 : i32
          %dma_start3A_265 = tpu.memref_slice %arg7[%dma_start3A_263, %dma_start3A_264] : memref<10000x128xf32, #tpu.memory_space<vmem_shared>> -> memref<10000x128xf32, #tpu.memory_space<vmem_shared>>
          tpu.enqueue_indirect_dma source(%arg10 : memref<80x128xf32, #tpu.memory_space<vmem>>) target(%dma_start3A_265 : memref<10000x128xf32, #tpu.memory_space<vmem_shared>>) offsets(%dma_start3A_262 : memref<80xi32, #tpu.memory_space<vmem>>) semaphore(%run_scoped3A_259 : memref<!tpu.dma_semaphore, #tpu.memory_space<semaphore_mem>>) {add = true}
          %dma_wait3A_266 = arith.constant 0 : i32
          %dma_wait3A_267 = tpu.memref_slice %arg9[%mul3A_157, %dma_wait3A_266] : memref<25x80xi32, #tpu.memory_space<vmem>> -> memref<1x80xi32, #tpu.memory_space<vmem>>
          %dma_wait3A_268 = tpu.memref_squeeze %dma_wait3A_267 : memref<1x80xi32, #tpu.memory_space<vmem>> -> memref<80xi32, #tpu.memory_space<vmem>>
          %dma_wait3A_269 = arith.constant 0 : i32
          %dma_wait3A_270 = arith.constant 0 : i32
          %dma_wait3A_271 = tpu.memref_slice %arg7[%dma_wait3A_269, %dma_wait3A_270] : memref<10000x128xf32, #tpu.memory_space<vmem_shared>> -> memref<10000x128xf32, #tpu.memory_space<vmem_shared>>
          tpu.wait_indirect_dma semaphore(%run_scoped3A_259 : memref<!tpu.dma_semaphore, #tpu.memory_space<semaphore_mem>>) src(%arg10 : memref<80x128xf32, #tpu.memory_space<vmem>>) dst(%dma_wait3A_271 : memref<10000x128xf32, #tpu.memory_space<vmem_shared>>)
          tpu.yield
        }) : () -> ()
        %scan3A_183 = arith.constant 0 : i32
        %scan3A_184 = arith.constant 0 : i32
        %scan3A_185 = arith.constant 5 : i32
        %scan3A_186 = arith.addi %scan3A_184, %scan3A_185 : i32
        %scan3A_187 = arith.constant 1 : i32
        scf.for %scan3A_259 = %scan3A_184 to %scan3A_186 step %scan3A_187  : i32 {
          %mul3A_260 = arith.constant 16 : i32
          %mul3A_261 = arith.muli %scan3A_259, %mul3A_260 : i32
          %get3A = arith.index_cast %mul3A_157 : i32 to index
          %get3A_262 = arith.index_cast %mul3A_261 : i32 to index
          %get3A_263 = tpu.vector_load %arg9[%get3A, %get3A_262] {strides = array<i32>} : memref<25x80xi32, #tpu.memory_space<vmem>>, vector<16xi32>,
          tpu.vector_store_idx %arg13[%get3A_263], %broadcast_in_dim3A_39 {add = true} : memref<10000xf32, #tpu.memory_space<vmem>>[vector<16xi32>], vector<16xf32>,
        }
        %scan3A_188 = arith.constant 5 : i32
        %mul3A_189 = arith.constant 3 : i32
        %mul3A_190 = arith.muli %mul3A_189, %scan3A_155 : i32
        %add3A_191 = arith.constant 1 : i32
        %add3A_192 = arith.addi %mul3A_190, %add3A_191 : i32
        %dma_wait3A_193 = arith.constant 0 : i32
        %dma_wait3A_194 = arith.constant 0 : i32
        %dma_wait3A_195 = tpu.memref_slice %arg11[%dma_wait3A_193, %dma_wait3A_194] : memref<80x128xf32, #tpu.memory_space<vmem>> -> memref<40x128xf32, #tpu.memory_space<vmem>>
        %dma_wait3A_196 = arith.constant 0 : i32
        %dma_wait3A_197 = tpu.memref_slice %arg8[%add3A_192, %dma_wait3A_196] : memref<25x80xi32, #tpu.memory_space<vmem>> -> memref<1x40xi32, #tpu.memory_space<vmem>>
        %dma_wait3A_198 = tpu.memref_squeeze %dma_wait3A_197 : memref<1x40xi32, #tpu.memory_space<vmem>> -> memref<40xi32, #tpu.memory_space<vmem>>
        %dma_wait3A_199 = arith.constant 0 : i32
        %dma_wait3A_200 = arith.constant 0 : i32
        %dma_wait3A_201 = tpu.memref_slice %arg2[%dma_wait3A_199, %dma_wait3A_200] : memref<10000x128xf32, #tpu.memory_space<hbm>> -> memref<10000x128xf32, #tpu.memory_space<hbm>>
        tpu.wait_indirect_dma semaphore(%arg16 : memref<!tpu.dma_semaphore, #tpu.memory_space<semaphore_mem>>) src(%dma_wait3A_201 : memref<10000x128xf32, #tpu.memory_space<hbm>>) dst(%dma_wait3A_195 : memref<40x128xf32, #tpu.memory_space<vmem>>)
        %dma_wait3A_202 = arith.constant 40 : i32
        %dma_wait3A_203 = arith.constant 0 : i32
        %dma_wait3A_204 = tpu.memref_slice %arg11[%dma_wait3A_202, %dma_wait3A_203] : memref<80x128xf32, #tpu.memory_space<vmem>> -> memref<40x128xf32, #tpu.memory_space<vmem>>
        %dma_wait3A_205 = arith.constant 40 : i32
        %dma_wait3A_206 = tpu.memref_slice %arg8[%add3A_192, %dma_wait3A_205] : memref<25x80xi32, #tpu.memory_space<vmem>> -> memref<1x40xi32, #tpu.memory_space<vmem>>
        %dma_wait3A_207 = tpu.memref_squeeze %dma_wait3A_206 : memref<1x40xi32, #tpu.memory_space<vmem>> -> memref<40xi32, #tpu.memory_space<vmem>>
        %dma_wait3A_208 = arith.constant 0 : i32
        %dma_wait3A_209 = arith.constant 0 : i32
        %dma_wait3A_210 = tpu.memref_slice %arg2[%dma_wait3A_208, %dma_wait3A_209] : memref<10000x128xf32, #tpu.memory_space<hbm>> -> memref<10000x128xf32, #tpu.memory_space<hbm>>
        tpu.wait_indirect_dma semaphore(%arg17 : memref<!tpu.dma_semaphore, #tpu.memory_space<semaphore_mem>>) src(%dma_wait3A_210 : memref<10000x128xf32, #tpu.memory_space<hbm>>) dst(%dma_wait3A_204 : memref<40x128xf32, #tpu.memory_space<vmem>>)
        %add3A_211 = arith.constant 2 : i32
        %add3A_212 = arith.addi %add3A_192, %add3A_211 : i32
        %lt3A_213 = arith.constant 25 : i32
        %lt3A_214 = arith.cmpi slt, %add3A_212, %lt3A_213 : i32
        %convert_element_type3A_215 = arith.extui %lt3A_214 : i1 to i32
        %cond3A_216 = arith.constant 0 : i32
        %cond3A_217 = arith.cmpi ne, %convert_element_type3A_215, %cond3A_216 : i32
        scf.if %cond3A_217 {
          %add3A_259 = arith.constant 2 : i32
          %add3A_260 = arith.addi %add3A_192, %add3A_259 : i32
          %dma_start3A_261 = arith.constant 0 : i32
          %dma_start3A_262 = arith.constant 0 : i32
          %dma_start3A_263 = tpu.memref_slice %arg10[%dma_start3A_261, %dma_start3A_262] : memref<80x128xf32, #tpu.memory_space<vmem>> -> memref<40x128xf32, #tpu.memory_space<vmem>>
          %dma_start3A_264 = arith.constant 0 : i32
          %dma_start3A_265 = tpu.memref_slice %arg8[%add3A_260, %dma_start3A_264] : memref<25x80xi32, #tpu.memory_space<vmem>> -> memref<1x40xi32, #tpu.memory_space<vmem>>
          %dma_start3A_266 = tpu.memref_squeeze %dma_start3A_265 : memref<1x40xi32, #tpu.memory_space<vmem>> -> memref<40xi32, #tpu.memory_space<vmem>>
          %dma_start3A_267 = arith.constant 0 : i32
          %dma_start3A_268 = arith.constant 0 : i32
          %dma_start3A_269 = tpu.memref_slice %arg2[%dma_start3A_267, %dma_start3A_268] : memref<10000x128xf32, #tpu.memory_space<hbm>> -> memref<10000x128xf32, #tpu.memory_space<hbm>>
          tpu.enqueue_indirect_dma source(%dma_start3A_269 : memref<10000x128xf32, #tpu.memory_space<hbm>>) target(%dma_start3A_263 : memref<40x128xf32, #tpu.memory_space<vmem>>) offsets(%dma_start3A_266 : memref<40xi32, #tpu.memory_space<vmem>>) semaphore(%arg14 : memref<!tpu.dma_semaphore, #tpu.memory_space<semaphore_mem>>)
          %dma_start3A_270 = arith.constant 40 : i32
          %dma_start3A_271 = arith.constant 0 : i32
          %dma_start3A_272 = tpu.memref_slice %arg10[%dma_start3A_270, %dma_start3A_271] : memref<80x128xf32, #tpu.memory_space<vmem>> -> memref<40x128xf32, #tpu.memory_space<vmem>>
          %dma_start3A_273 = arith.constant 40 : i32
          %dma_start3A_274 = tpu.memref_slice %arg8[%add3A_260, %dma_start3A_273] : memref<25x80xi32, #tpu.memory_space<vmem>> -> memref<1x40xi32, #tpu.memory_space<vmem>>
          %dma_start3A_275 = tpu.memref_squeeze %dma_start3A_274 : memref<1x40xi32, #tpu.memory_space<vmem>> -> memref<40xi32, #tpu.memory_space<vmem>>
          %dma_start3A_276 = arith.constant 0 : i32
          %dma_start3A_277 = arith.constant 0 : i32
          %dma_start3A_278 = tpu.memref_slice %arg2[%dma_start3A_276, %dma_start3A_277] : memref<10000x128xf32, #tpu.memory_space<hbm>> -> memref<10000x128xf32, #tpu.memory_space<hbm>>
          tpu.enqueue_indirect_dma source(%dma_start3A_278 : memref<10000x128xf32, #tpu.memory_space<hbm>>) target(%dma_start3A_272 : memref<40x128xf32, #tpu.memory_space<vmem>>) offsets(%dma_start3A_275 : memref<40xi32, #tpu.memory_space<vmem>>) semaphore(%arg15 : memref<!tpu.dma_semaphore, #tpu.memory_space<semaphore_mem>>)
        } else {
        }
        "tpu.region"() ({
          %run_scoped3A_259 = tpu.sem_alloc : memref<!tpu.dma_semaphore, #tpu.memory_space<semaphore_mem>>
          %dma_start3A_260 = arith.constant 0 : i32
          %dma_start3A_261 = tpu.memref_slice %arg9[%add3A_192, %dma_start3A_260] : memref<25x80xi32, #tpu.memory_space<vmem>> -> memref<1x80xi32, #tpu.memory_space<vmem>>
          %dma_start3A_262 = tpu.memref_squeeze %dma_start3A_261 : memref<1x80xi32, #tpu.memory_space<vmem>> -> memref<80xi32, #tpu.memory_space<vmem>>
          %dma_start3A_263 = arith.constant 0 : i32
          %dma_start3A_264 = arith.constant 0 : i32
          %dma_start3A_265 = tpu.memref_slice %arg7[%dma_start3A_263, %dma_start3A_264] : memref<10000x128xf32, #tpu.memory_space<vmem_shared>> -> memref<10000x128xf32, #tpu.memory_space<vmem_shared>>
          tpu.enqueue_indirect_dma source(%arg11 : memref<80x128xf32, #tpu.memory_space<vmem>>) target(%dma_start3A_265 : memref<10000x128xf32, #tpu.memory_space<vmem_shared>>) offsets(%dma_start3A_262 : memref<80xi32, #tpu.memory_space<vmem>>) semaphore(%run_scoped3A_259 : memref<!tpu.dma_semaphore, #tpu.memory_space<semaphore_mem>>) {add = true}
          %dma_wait3A_266 = arith.constant 0 : i32
          %dma_wait3A_267 = tpu.memref_slice %arg9[%add3A_192, %dma_wait3A_266] : memref<25x80xi32, #tpu.memory_space<vmem>> -> memref<1x80xi32, #tpu.memory_space<vmem>>
          %dma_wait3A_268 = tpu.memref_squeeze %dma_wait3A_267 : memref<1x80xi32, #tpu.memory_space<vmem>> -> memref<80xi32, #tpu.memory_space<vmem>>
          %dma_wait3A_269 = arith.constant 0 : i32
          %dma_wait3A_270 = arith.constant 0 : i32
          %dma_wait3A_271 = tpu.memref_slice %arg7[%dma_wait3A_269, %dma_wait3A_270] : memref<10000x128xf32, #tpu.memory_space<vmem_shared>> -> memref<10000x128xf32, #tpu.memory_space<vmem_shared>>
          tpu.wait_indirect_dma semaphore(%run_scoped3A_259 : memref<!tpu.dma_semaphore, #tpu.memory_space<semaphore_mem>>) src(%arg11 : memref<80x128xf32, #tpu.memory_space<vmem>>) dst(%dma_wait3A_271 : memref<10000x128xf32, #tpu.memory_space<vmem_shared>>)
          tpu.yield
        }) : () -> ()
        %scan3A_218 = arith.constant 0 : i32
        %scan3A_219 = arith.constant 0 : i32
        %scan3A_220 = arith.constant 5 : i32
        %scan3A_221 = arith.addi %scan3A_219, %scan3A_220 : i32
        %scan3A_222 = arith.constant 1 : i32
        scf.for %scan3A_259 = %scan3A_219 to %scan3A_221 step %scan3A_222  : i32 {
          %mul3A_260 = arith.constant 16 : i32
          %mul3A_261 = arith.muli %scan3A_259, %mul3A_260 : i32
          %get3A = arith.index_cast %add3A_192 : i32 to index
          %get3A_262 = arith.index_cast %mul3A_261 : i32 to index
          %get3A_263 = tpu.vector_load %arg9[%get3A, %get3A_262] {strides = array<i32>} : memref<25x80xi32, #tpu.memory_space<vmem>>, vector<16xi32>,
          tpu.vector_store_idx %arg13[%get3A_263], %broadcast_in_dim3A_39 {add = true} : memref<10000xf32, #tpu.memory_space<vmem>>[vector<16xi32>], vector<16xf32>,
        }
        %scan3A_223 = arith.constant 5 : i32
        %mul3A_224 = arith.constant 3 : i32
        %mul3A_225 = arith.muli %mul3A_224, %scan3A_155 : i32
        %add3A_226 = arith.constant 2 : i32
        %add3A_227 = arith.addi %mul3A_225, %add3A_226 : i32
        %dma_wait3A_228 = arith.constant 0 : i32
        %dma_wait3A_229 = arith.constant 0 : i32
        %dma_wait3A_230 = tpu.memref_slice %arg12[%dma_wait3A_228, %dma_wait3A_229] : memref<80x128xf32, #tpu.memory_space<vmem>> -> memref<40x128xf32, #tpu.memory_space<vmem>>
        %dma_wait3A_231 = arith.constant 0 : i32
        %dma_wait3A_232 = tpu.memref_slice %arg8[%add3A_227, %dma_wait3A_231] : memref<25x80xi32, #tpu.memory_space<vmem>> -> memref<1x40xi32, #tpu.memory_space<vmem>>
        %dma_wait3A_233 = tpu.memref_squeeze %dma_wait3A_232 : memref<1x40xi32, #tpu.memory_space<vmem>> -> memref<40xi32, #tpu.memory_space<vmem>>
        %dma_wait3A_234 = arith.constant 0 : i32
        %dma_wait3A_235 = arith.constant 0 : i32
        %dma_wait3A_236 = tpu.memref_slice %arg2[%dma_wait3A_234, %dma_wait3A_235] : memref<10000x128xf32, #tpu.memory_space<hbm>> -> memref<10000x128xf32, #tpu.memory_space<hbm>>
        tpu.wait_indirect_dma semaphore(%arg18 : memref<!tpu.dma_semaphore, #tpu.memory_space<semaphore_mem>>) src(%dma_wait3A_236 : memref<10000x128xf32, #tpu.memory_space<hbm>>) dst(%dma_wait3A_230 : memref<40x128xf32, #tpu.memory_space<vmem>>)
        %dma_wait3A_237 = arith.constant 40 : i32
        %dma_wait3A_238 = arith.constant 0 : i32
        %dma_wait3A_239 = tpu.memref_slice %arg12[%dma_wait3A_237, %dma_wait3A_238] : memref<80x128xf32, #tpu.memory_space<vmem>> -> memref<40x128xf32, #tpu.memory_space<vmem>>
        %dma_wait3A_240 = arith.constant 40 : i32
        %dma_wait3A_241 = tpu.memref_slice %arg8[%add3A_227, %dma_wait3A_240] : memref<25x80xi32, #tpu.memory_space<vmem>> -> memref<1x40xi32, #tpu.memory_space<vmem>>
        %dma_wait3A_242 = tpu.memref_squeeze %dma_wait3A_241 : memref<1x40xi32, #tpu.memory_space<vmem>> -> memref<40xi32, #tpu.memory_space<vmem>>
        %dma_wait3A_243 = arith.constant 0 : i32
        %dma_wait3A_244 = arith.constant 0 : i32
        %dma_wait3A_245 = tpu.memref_slice %arg2[%dma_wait3A_243, %dma_wait3A_244] : memref<10000x128xf32, #tpu.memory_space<hbm>> -> memref<10000x128xf32, #tpu.memory_space<hbm>>
        tpu.wait_indirect_dma semaphore(%arg19 : memref<!tpu.dma_semaphore, #tpu.memory_space<semaphore_mem>>) src(%dma_wait3A_245 : memref<10000x128xf32, #tpu.memory_space<hbm>>) dst(%dma_wait3A_239 : memref<40x128xf32, #tpu.memory_space<vmem>>)
        %add3A_246 = arith.constant 2 : i32
        %add3A_247 = arith.addi %add3A_227, %add3A_246 : i32
        %lt3A_248 = arith.constant 25 : i32
        %lt3A_249 = arith.cmpi slt, %add3A_247, %lt3A_248 : i32
        %convert_element_type3A_250 = arith.extui %lt3A_249 : i1 to i32
        %cond3A_251 = arith.constant 0 : i32
        %cond3A_252 = arith.cmpi ne, %convert_element_type3A_250, %cond3A_251 : i32
        scf.if %cond3A_252 {
          %add3A_259 = arith.constant 2 : i32
          %add3A_260 = arith.addi %add3A_227, %add3A_259 : i32
          %dma_start3A_261 = arith.constant 0 : i32
          %dma_start3A_262 = arith.constant 0 : i32
          %dma_start3A_263 = tpu.memref_slice %arg11[%dma_start3A_261, %dma_start3A_262] : memref<80x128xf32, #tpu.memory_space<vmem>> -> memref<40x128xf32, #tpu.memory_space<vmem>>
          %dma_start3A_264 = arith.constant 0 : i32
          %dma_start3A_265 = tpu.memref_slice %arg8[%add3A_260, %dma_start3A_264] : memref<25x80xi32, #tpu.memory_space<vmem>> -> memref<1x40xi32, #tpu.memory_space<vmem>>
          %dma_start3A_266 = tpu.memref_squeeze %dma_start3A_265 : memref<1x40xi32, #tpu.memory_space<vmem>> -> memref<40xi32, #tpu.memory_space<vmem>>
          %dma_start3A_267 = arith.constant 0 : i32
          %dma_start3A_268 = arith.constant 0 : i32
          %dma_start3A_269 = tpu.memref_slice %arg2[%dma_start3A_267, %dma_start3A_268] : memref<10000x128xf32, #tpu.memory_space<hbm>> -> memref<10000x128xf32, #tpu.memory_space<hbm>>
          tpu.enqueue_indirect_dma source(%dma_start3A_269 : memref<10000x128xf32, #tpu.memory_space<hbm>>) target(%dma_start3A_263 : memref<40x128xf32, #tpu.memory_space<vmem>>) offsets(%dma_start3A_266 : memref<40xi32, #tpu.memory_space<vmem>>) semaphore(%arg16 : memref<!tpu.dma_semaphore, #tpu.memory_space<semaphore_mem>>)
          %dma_start3A_270 = arith.constant 40 : i32
          %dma_start3A_271 = arith.constant 0 : i32
          %dma_start3A_272 = tpu.memref_slice %arg11[%dma_start3A_270, %dma_start3A_271] : memref<80x128xf32, #tpu.memory_space<vmem>> -> memref<40x128xf32, #tpu.memory_space<vmem>>
          %dma_start3A_273 = arith.constant 40 : i32
          %dma_start3A_274 = tpu.memref_slice %arg8[%add3A_260, %dma_start3A_273] : memref<25x80xi32, #tpu.memory_space<vmem>> -> memref<1x40xi32, #tpu.memory_space<vmem>>
          %dma_start3A_275 = tpu.memref_squeeze %dma_start3A_274 : memref<1x40xi32, #tpu.memory_space<vmem>> -> memref<40xi32, #tpu.memory_space<vmem>>
          %dma_start3A_276 = arith.constant 0 : i32
          %dma_start3A_277 = arith.constant 0 : i32
          %dma_start3A_278 = tpu.memref_slice %arg2[%dma_start3A_276, %dma_start3A_277] : memref<10000x128xf32, #tpu.memory_space<hbm>> -> memref<10000x128xf32, #tpu.memory_space<hbm>>
          tpu.enqueue_indirect_dma source(%dma_start3A_278 : memref<10000x128xf32, #tpu.memory_space<hbm>>) target(%dma_start3A_272 : memref<40x128xf32, #tpu.memory_space<vmem>>) offsets(%dma_start3A_275 : memref<40xi32, #tpu.memory_space<vmem>>) semaphore(%arg17 : memref<!tpu.dma_semaphore, #tpu.memory_space<semaphore_mem>>)
        } else {
        }
        "tpu.region"() ({
          %run_scoped3A_259 = tpu.sem_alloc : memref<!tpu.dma_semaphore, #tpu.memory_space<semaphore_mem>>
          %dma_start3A_260 = arith.constant 0 : i32
          %dma_start3A_261 = tpu.memref_slice %arg9[%add3A_227, %dma_start3A_260] : memref<25x80xi32, #tpu.memory_space<vmem>> -> memref<1x80xi32, #tpu.memory_space<vmem>>
          %dma_start3A_262 = tpu.memref_squeeze %dma_start3A_261 : memref<1x80xi32, #tpu.memory_space<vmem>> -> memref<80xi32, #tpu.memory_space<vmem>>
          %dma_start3A_263 = arith.constant 0 : i32
          %dma_start3A_264 = arith.constant 0 : i32
          %dma_start3A_265 = tpu.memref_slice %arg7[%dma_start3A_263, %dma_start3A_264] : memref<10000x128xf32, #tpu.memory_space<vmem_shared>> -> memref<10000x128xf32, #tpu.memory_space<vmem_shared>>
          tpu.enqueue_indirect_dma source(%arg12 : memref<80x128xf32, #tpu.memory_space<vmem>>) target(%dma_start3A_265 : memref<10000x128xf32, #tpu.memory_space<vmem_shared>>) offsets(%dma_start3A_262 : memref<80xi32, #tpu.memory_space<vmem>>) semaphore(%run_scoped3A_259 : memref<!tpu.dma_semaphore, #tpu.memory_space<semaphore_mem>>) {add = true}
          %dma_wait3A_266 = arith.constant 0 : i32
          %dma_wait3A_267 = tpu.memref_slice %arg9[%add3A_227, %dma_wait3A_266] : memref<25x80xi32, #tpu.memory_space<vmem>> -> memref<1x80xi32, #tpu.memory_space<vmem>>
          %dma_wait3A_268 = tpu.memref_squeeze %dma_wait3A_267 : memref<1x80xi32, #tpu.memory_space<vmem>> -> memref<80xi32, #tpu.memory_space<vmem>>
          %dma_wait3A_269 = arith.constant 0 : i32
          %dma_wait3A_270 = arith.constant 0 : i32
          %dma_wait3A_271 = tpu.memref_slice %arg7[%dma_wait3A_269, %dma_wait3A_270] : memref<10000x128xf32, #tpu.memory_space<vmem_shared>> -> memref<10000x128xf32, #tpu.memory_space<vmem_shared>>
          tpu.wait_indirect_dma semaphore(%run_scoped3A_259 : memref<!tpu.dma_semaphore, #tpu.memory_space<semaphore_mem>>) src(%arg12 : memref<80x128xf32, #tpu.memory_space<vmem>>) dst(%dma_wait3A_271 : memref<10000x128xf32, #tpu.memory_space<vmem_shared>>)
          tpu.yield
        }) : () -> ()
        %scan3A_253 = arith.constant 0 : i32
        %scan3A_254 = arith.constant 0 : i32
        %scan3A_255 = arith.constant 5 : i32
        %scan3A_256 = arith.addi %scan3A_254, %scan3A_255 : i32
        %scan3A_257 = arith.constant 1 : i32
        scf.for %scan3A_259 = %scan3A_254 to %scan3A_256 step %scan3A_257  : i32 {
          %mul3A_260 = arith.constant 16 : i32
          %mul3A_261 = arith.muli %scan3A_259, %mul3A_260 : i32
          %get3A = arith.index_cast %add3A_227 : i32 to index
          %get3A_262 = arith.index_cast %mul3A_261 : i32 to index
          %get3A_263 = tpu.vector_load %arg9[%get3A, %get3A_262] {strides = array<i32>} : memref<25x80xi32, #tpu.memory_space<vmem>>, vector<16xi32>,
          tpu.vector_store_idx %arg13[%get3A_263], %broadcast_in_dim3A_39 {add = true} : memref<10000xf32, #tpu.memory_space<vmem>>[vector<16xi32>], vector<16xf32>,
        }
        %scan3A_258 = arith.constant 5 : i32
      }
      %scan3A_124 = arith.constant 8 : i32
      %dma_wait3A_125 = arith.constant 24 : i32
      %dma_wait3A_126 = arith.constant 0 : i32
      %dma_wait3A_127 = arith.constant 0 : i32
      %dma_wait3A_128 = tpu.memref_slice %arg10[%dma_wait3A_126, %dma_wait3A_127] : memref<80x128xf32, #tpu.memory_space<vmem>> -> memref<40x128xf32, #tpu.memory_space<vmem>>
      %dma_wait3A_129 = arith.constant 0 : i32
      %dma_wait3A_130 = tpu.memref_slice %arg8[%dma_wait3A_125, %dma_wait3A_129] : memref<25x80xi32, #tpu.memory_space<vmem>> -> memref<1x40xi32, #tpu.memory_space<vmem>>
      %dma_wait3A_131 = tpu.memref_squeeze %dma_wait3A_130 : memref<1x40xi32, #tpu.memory_space<vmem>> -> memref<40xi32, #tpu.memory_space<vmem>>
      %dma_wait3A_132 = arith.constant 0 : i32
      %dma_wait3A_133 = arith.constant 0 : i32
      %dma_wait3A_134 = tpu.memref_slice %arg2[%dma_wait3A_132, %dma_wait3A_133] : memref<10000x128xf32, #tpu.memory_space<hbm>> -> memref<10000x128xf32, #tpu.memory_space<hbm>>
      tpu.wait_indirect_dma semaphore(%arg14 : memref<!tpu.dma_semaphore, #tpu.memory_space<semaphore_mem>>) src(%dma_wait3A_134 : memref<10000x128xf32, #tpu.memory_space<hbm>>) dst(%dma_wait3A_128 : memref<40x128xf32, #tpu.memory_space<vmem>>)
      %dma_wait3A_135 = arith.constant 24 : i32
      %dma_wait3A_136 = arith.constant 40 : i32
      %dma_wait3A_137 = arith.constant 0 : i32
      %dma_wait3A_138 = tpu.memref_slice %arg10[%dma_wait3A_136, %dma_wait3A_137] : memref<80x128xf32, #tpu.memory_space<vmem>> -> memref<40x128xf32, #tpu.memory_space<vmem>>
      %dma_wait3A_139 = arith.constant 40 : i32
      %dma_wait3A_140 = tpu.memref_slice %arg8[%dma_wait3A_135, %dma_wait3A_139] : memref<25x80xi32, #tpu.memory_space<vmem>> -> memref<1x40xi32, #tpu.memory_space<vmem>>
      %dma_wait3A_141 = tpu.memref_squeeze %dma_wait3A_140 : memref<1x40xi32, #tpu.memory_space<vmem>> -> memref<40xi32, #tpu.memory_space<vmem>>
      %dma_wait3A_142 = arith.constant 0 : i32
      %dma_wait3A_143 = arith.constant 0 : i32
      %dma_wait3A_144 = tpu.memref_slice %arg2[%dma_wait3A_142, %dma_wait3A_143] : memref<10000x128xf32, #tpu.memory_space<hbm>> -> memref<10000x128xf32, #tpu.memory_space<hbm>>
      tpu.wait_indirect_dma semaphore(%arg15 : memref<!tpu.dma_semaphore, #tpu.memory_space<semaphore_mem>>) src(%dma_wait3A_144 : memref<10000x128xf32, #tpu.memory_space<hbm>>) dst(%dma_wait3A_138 : memref<40x128xf32, #tpu.memory_space<vmem>>)
      %run_scoped3A = arith.constant 24 : i32
      "tpu.region"() ({
        %run_scoped3A_155 = tpu.sem_alloc : memref<!tpu.dma_semaphore, #tpu.memory_space<semaphore_mem>>
        %dma_start3A_156 = arith.constant 0 : i32
        %dma_start3A_157 = tpu.memref_slice %arg9[%run_scoped3A, %dma_start3A_156] : memref<25x80xi32, #tpu.memory_space<vmem>> -> memref<1x80xi32, #tpu.memory_space<vmem>>
        %dma_start3A_158 = tpu.memref_squeeze %dma_start3A_157 : memref<1x80xi32, #tpu.memory_space<vmem>> -> memref<80xi32, #tpu.memory_space<vmem>>
        %dma_start3A_159 = arith.constant 0 : i32
        %dma_start3A_160 = arith.constant 0 : i32
        %dma_start3A_161 = tpu.memref_slice %arg7[%dma_start3A_159, %dma_start3A_160] : memref<10000x128xf32, #tpu.memory_space<vmem_shared>> -> memref<10000x128xf32, #tpu.memory_space<vmem_shared>>
        tpu.enqueue_indirect_dma source(%arg10 : memref<80x128xf32, #tpu.memory_space<vmem>>) target(%dma_start3A_161 : memref<10000x128xf32, #tpu.memory_space<vmem_shared>>) offsets(%dma_start3A_158 : memref<80xi32, #tpu.memory_space<vmem>>) semaphore(%run_scoped3A_155 : memref<!tpu.dma_semaphore, #tpu.memory_space<semaphore_mem>>) {add = true}
        %dma_wait3A_162 = arith.constant 0 : i32
        %dma_wait3A_163 = tpu.memref_slice %arg9[%run_scoped3A, %dma_wait3A_162] : memref<25x80xi32, #tpu.memory_space<vmem>> -> memref<1x80xi32, #tpu.memory_space<vmem>>
        %dma_wait3A_164 = tpu.memref_squeeze %dma_wait3A_163 : memref<1x80xi32, #tpu.memory_space<vmem>> -> memref<80xi32, #tpu.memory_space<vmem>>
        %dma_wait3A_165 = arith.constant 0 : i32
        %dma_wait3A_166 = arith.constant 0 : i32
        %dma_wait3A_167 = tpu.memref_slice %arg7[%dma_wait3A_165, %dma_wait3A_166] : memref<10000x128xf32, #tpu.memory_space<vmem_shared>> -> memref<10000x128xf32, #tpu.memory_space<vmem_shared>>
        tpu.wait_indirect_dma semaphore(%run_scoped3A_155 : memref<!tpu.dma_semaphore, #tpu.memory_space<semaphore_mem>>) src(%arg10 : memref<80x128xf32, #tpu.memory_space<vmem>>) dst(%dma_wait3A_167 : memref<10000x128xf32, #tpu.memory_space<vmem_shared>>)
        tpu.yield
      }) : () -> ()
      %scan3A_145 = arith.constant 0 : i32
      %scan3A_146 = arith.constant 0 : i32
      %scan3A_147 = arith.constant 5 : i32
      %scan3A_148 = arith.addi %scan3A_146, %scan3A_147 : i32
      %scan3A_149 = arith.constant 1 : i32
      scf.for %scan3A_155 = %scan3A_146 to %scan3A_148 step %scan3A_149  : i32 {
        %mul3A_156 = arith.constant 16 : i32
        %mul3A_157 = arith.muli %scan3A_155, %mul3A_156 : i32
        %get3A = arith.constant 24 : i32
        %get3A_158 = arith.index_cast %get3A : i32 to index
        %get3A_159 = arith.index_cast %mul3A_157 : i32 to index
        %get3A_160 = tpu.vector_load %arg9[%get3A_158, %get3A_159] {strides = array<i32>} : memref<25x80xi32, #tpu.memory_space<vmem>>, vector<16xi32>,
        tpu.vector_store_idx %arg13[%get3A_160], %broadcast_in_dim3A_39 {add = true} : memref<10000xf32, #tpu.memory_space<vmem>>[vector<16xi32>], vector<16xf32>,
      }
      %scan3A_150 = arith.constant 5 : i32
      %add3A_151 = arith.constant 1 : i32
      %add3A_152 = arith.addi %scan3A_61, %add3A_151 : i32
      %lt3A = arith.constant 5 : i32
      %lt3A_153 = arith.cmpi slt, %add3A_152, %lt3A : i32
      %convert_element_type3A = arith.extui %lt3A_153 : i1 to i32
      %cond3A = arith.constant 0 : i32
      %cond3A_154 = arith.cmpi ne, %convert_element_type3A, %cond3A : i32
      scf.if %cond3A_154 {
        %add3A_155 = arith.constant 1 : i32
        %add3A_156 = arith.addi %scan3A_61, %add3A_155 : i32
        %dma_start3A_157 = arith.constant 0 : i32
        %dma_start3A_158 = arith.constant 0 : i32
        %dma_start3A_159 = arith.constant 0 : i32
        %dma_start3A_160 = tpu.memref_slice %arg3[%dma_start3A_157, %add3A, %add3A_156, %dma_start3A_158, %dma_start3A_159] : memref<2x32x5x25x80xi32, #tpu.memory_space<hbm>> -> memref<1x1x1x25x80xi32, #tpu.memory_space<hbm>>
        %dma_start3A_161 = tpu.memref_squeeze %dma_start3A_160 : memref<1x1x1x25x80xi32, #tpu.memory_space<hbm>> -> memref<25x80xi32, #tpu.memory_space<hbm>>
        %dma_start3A_162 = arith.constant 0 : i32
        %dma_start3A_163 = arith.constant 0 : i32
        %dma_start3A_164 = tpu.memref_slice %arg3[%dma_start3A_157, %add3A, %add3A_156, %dma_start3A_162, %dma_start3A_163] : memref<2x32x5x25x80xi32, #tpu.memory_space<hbm>> -> memref<1x1x1x25x80xi32, #tpu.memory_space<hbm>>
        %dma_start3A_165 = tpu.memref_squeeze %dma_start3A_164 : memref<1x1x1x25x80xi32, #tpu.memory_space<hbm>> -> memref<25x80xi32, #tpu.memory_space<hbm>>
        tpu.enqueue_dma source(%dma_start3A_165 : memref<25x80xi32, #tpu.memory_space<hbm>>) target(%arg8 : memref<25x80xi32, #tpu.memory_space<vmem>>) target_semaphore(%arg20 : memref<!tpu.dma_semaphore, #tpu.memory_space<semaphore_mem>>)
        %dma_start3A_166 = arith.constant 1 : i32
        %dma_start3A_167 = arith.constant 0 : i32
        %dma_start3A_168 = arith.constant 0 : i32
        %dma_start3A_169 = tpu.memref_slice %arg3[%dma_start3A_166, %add3A, %add3A_156, %dma_start3A_167, %dma_start3A_168] : memref<2x32x5x25x80xi32, #tpu.memory_space<hbm>> -> memref<1x1x1x25x80xi32, #tpu.memory_space<hbm>>
        %dma_start3A_170 = tpu.memref_squeeze %dma_start3A_169 : memref<1x1x1x25x80xi32, #tpu.memory_space<hbm>> -> memref<25x80xi32, #tpu.memory_space<hbm>>
        %dma_start3A_171 = arith.constant 0 : i32
        %dma_start3A_172 = arith.constant 0 : i32
        %dma_start3A_173 = tpu.memref_slice %arg3[%dma_start3A_166, %add3A, %add3A_156, %dma_start3A_171, %dma_start3A_172] : memref<2x32x5x25x80xi32, #tpu.memory_space<hbm>> -> memref<1x1x1x25x80xi32, #tpu.memory_space<hbm>>
        %dma_start3A_174 = tpu.memref_squeeze %dma_start3A_173 : memref<1x1x1x25x80xi32, #tpu.memory_space<hbm>> -> memref<25x80xi32, #tpu.memory_space<hbm>>
        tpu.enqueue_dma source(%dma_start3A_174 : memref<25x80xi32, #tpu.memory_space<hbm>>) target(%arg9 : memref<25x80xi32, #tpu.memory_space<vmem>>) target_semaphore(%arg20 : memref<!tpu.dma_semaphore, #tpu.memory_space<semaphore_mem>>)
      } else {
      }
    }
    %scan3A_45 = arith.constant 5 : i32
    %barrier3A_46 = arith.constant 0 : index
    tpu.barrier barrier_id(%barrier3A_46)
    %scan3A_47 = arith.constant 0 : i32
    %scan3A_48 = arith.constant 0 : i32
    %scan3A_49 = arith.constant 8 : i32
    %scan3A_50 = arith.addi %scan3A_48, %scan3A_49 : i32
    %scan3A_51 = arith.constant 1 : i32
    scf.for %scan3A_61 = %scan3A_48 to %scan3A_50 step %scan3A_51  : i32 {
      %mul3A_62 = arith.constant 16 : i32
      %mul3A_63 = arith.muli %scan3A_61, %mul3A_62 : i32
      %add3A_64 = arith.addi %arg1, %mul3A_63 : i32
      %lt3A = arith.constant 125 : i32
      %lt3A_65 = arith.cmpi slt, %add3A_64, %lt3A : i32
      %convert_element_type3A = arith.extui %lt3A_65 : i1 to i32
      %cond3A = arith.constant 0 : i32
      %cond3A_66 = arith.cmpi ne, %convert_element_type3A, %cond3A : i32
      scf.if %cond3A_66 {
        %mul3A_67 = arith.constant 80 : i32
        %mul3A_68 = arith.muli %add3A_64, %mul3A_67 : i32
        %mul3A_69 = arith.constant 10000 : i32
        %mul3A_70 = arith.muli %arg0, %mul3A_69 : i32
        %mul3A_71 = arith.constant 80 : i32
        %mul3A_72 = arith.muli %add3A_64, %mul3A_71 : i32
        %add3A_73 = arith.addi %mul3A_70, %mul3A_72 : i32
        %dma_start3A_74 = arith.constant 0 : i32
        %dma_start3A_75 = tpu.memref_slice %arg5[%add3A_73, %dma_start3A_74] : memref<20000x128xf32, #tpu.memory_space<hbm>> -> memref<80x128xf32, #tpu.memory_space<hbm>>
        %dma_start3A_76 = arith.constant 0 : i32
        %dma_start3A_77 = tpu.memref_slice %arg7[%mul3A_68, %dma_start3A_76] : memref<10000x128xf32, #tpu.memory_space<vmem_shared>> -> memref<80x128xf32, #tpu.memory_space<vmem_shared>>
        tpu.enqueue_dma source(%dma_start3A_77 : memref<80x128xf32, #tpu.memory_space<vmem_shared>>) target(%dma_start3A_75 : memref<80x128xf32, #tpu.memory_space<hbm>>) target_semaphore(%arg22 : memref<!tpu.dma_semaphore, #tpu.memory_space<semaphore_mem>>)
      } else {
      }
    }
    %scan3A_52 = arith.constant 8 : i32
    %mul3A_53 = arith.constant 10000 : i32
    %mul3A_54 = arith.muli %add3A, %mul3A_53 : i32
    "tpu.region"() ({
      %run_scoped3A = tpu.sem_alloc : memref<!tpu.dma_semaphore, #tpu.memory_space<semaphore_mem>>
      %dma_start3A_61 = tpu.memref_slice %arg6[%mul3A_54] : memref<320000xf32, #tpu.memory_space<hbm>> -> memref<10000xf32, #tpu.memory_space<hbm>>
      %dma_start3A_62 = tpu.memref_slice %arg6[%mul3A_54] : memref<320000xf32, #tpu.memory_space<hbm>> -> memref<10000xf32, #tpu.memory_space<hbm>>
      tpu.enqueue_dma source(%arg13 : memref<10000xf32, #tpu.memory_space<vmem>>) target(%dma_start3A_62 : memref<10000xf32, #tpu.memory_space<hbm>>) target_semaphore(%run_scoped3A : memref<!tpu.dma_semaphore, #tpu.memory_space<semaphore_mem>>)
      %dma_wait3A = tpu.memref_slice %arg6[%mul3A_54] : memref<320000xf32, #tpu.memory_space<hbm>> -> memref<10000xf32, #tpu.memory_space<hbm>>
      %dma_wait3A_63 = tpu.memref_slice %arg6[%mul3A_54] : memref<320000xf32, #tpu.memory_space<hbm>> -> memref<10000xf32, #tpu.memory_space<hbm>>
      tpu.wait_dma2 semaphore(%run_scoped3A : memref<!tpu.dma_semaphore, #tpu.memory_space<semaphore_mem>>) src(%arg13 : memref<10000xf32, #tpu.memory_space<vmem>>) dst(%dma_wait3A_63 : memref<10000xf32, #tpu.memory_space<hbm>>)
      tpu.yield
    }) : () -> ()
    %scan3A_55 = arith.constant 0 : i32
    %scan3A_56 = arith.constant 0 : i32
    %scan3A_57 = arith.constant 8 : i32
    %scan3A_58 = arith.addi %scan3A_56, %scan3A_57 : i32
    %scan3A_59 = arith.constant 1 : i32
    scf.for %scan3A_61 = %scan3A_56 to %scan3A_58 step %scan3A_59  : i32 {
      %mul3A_62 = arith.constant 16 : i32
      %mul3A_63 = arith.muli %scan3A_61, %mul3A_62 : i32
      %add3A_64 = arith.addi %arg1, %mul3A_63 : i32
      %lt3A = arith.constant 125 : i32
      %lt3A_65 = arith.cmpi slt, %add3A_64, %lt3A : i32
      %convert_element_type3A = arith.extui %lt3A_65 : i1 to i32
      %cond3A = arith.constant 0 : i32
      %cond3A_66 = arith.cmpi ne, %convert_element_type3A, %cond3A : i32
      scf.if %cond3A_66 {
        %mul3A_67 = arith.constant 80 : i32
        %mul3A_68 = arith.muli %add3A_64, %mul3A_67 : i32
        %mul3A_69 = arith.constant 10000 : i32
        %mul3A_70 = arith.muli %arg0, %mul3A_69 : i32
        %mul3A_71 = arith.constant 80 : i32
        %mul3A_72 = arith.muli %add3A_64, %mul3A_71 : i32
        %add3A_73 = arith.addi %mul3A_70, %mul3A_72 : i32
        %dma_wait3A = arith.constant 0 : i32
        %dma_wait3A_74 = tpu.memref_slice %arg5[%add3A_73, %dma_wait3A] : memref<20000x128xf32, #tpu.memory_space<hbm>> -> memref<80x128xf32, #tpu.memory_space<hbm>>
        %dma_wait3A_75 = arith.constant 0 : i32
        %dma_wait3A_76 = tpu.memref_slice %arg7[%mul3A_68, %dma_wait3A_75] : memref<10000x128xf32, #tpu.memory_space<vmem_shared>> -> memref<80x128xf32, #tpu.memory_space<vmem_shared>>
        tpu.wait_dma2 semaphore(%arg22 : memref<!tpu.dma_semaphore, #tpu.memory_space<semaphore_mem>>) src(%dma_wait3A_76 : memref<80x128xf32, #tpu.memory_space<vmem_shared>>) dst(%dma_wait3A_74 : memref<80x128xf32, #tpu.memory_space<hbm>>)
      } else {
      }
    }
    %scan3A_60 = arith.constant 8 : i32
    return
  }
}

module attributes {stable_mosaic.version = 14 : i64} {
  func.func @_tc_body(%arg0: i32, %arg1: memref<2x1000x128xf32, #tpu.memory_space<vmem>>, %arg2: memref<1000x32xf32, #tpu.memory_space<vmem>>, %arg3: memref<128x128xf32, #tpu.memory_space<vmem>>, %arg4: memref<1x128xf32, #tpu.memory_space<vmem>>, %arg5: memref<3x128xf32, #tpu.memory_space<vmem>>, %arg6: memref<1x3xf32, #tpu.memory_space<vmem>>, %arg7: memref<1000x3xf32, #tpu.memory_space<vmem>>) attributes {dimension_semantics = [#tpu.dimension_semantics<arbitrary>], iteration_bounds = array<i64: 10>, scalar_prefetch = 0 : i64, scratch_operands = 0 : i64, tpu.core_type = #tpu.core_type<tc>, window_params = [{transform_indices = @transform_0, window_bounds = array<i64: 2, 1000, 128>}, {transform_indices = @transform_1, window_bounds = array<i64: 1000, 32>}, {pipeline_mode = #tpu.pipeline_mode<synchronous>, transform_indices = @transform_2, window_bounds = array<i64: 128, 128>}, {pipeline_mode = #tpu.pipeline_mode<synchronous>, transform_indices = @transform_3, window_bounds = array<i64: 1, 128>}, {pipeline_mode = #tpu.pipeline_mode<synchronous>, transform_indices = @transform_4, window_bounds = array<i64: 3, 128>}, {pipeline_mode = #tpu.pipeline_mode<synchronous>, transform_indices = @transform_5, window_bounds = array<i64: 1, 3>}, {transform_indices = @transform_6, window_bounds = array<i64: 1000, 3>}]} {
    %get3A = arith.constant 0 : index
    %get3A_0 = arith.constant 0 : index
    %get3A_1 = arith.constant 0 : index
    %get3A_2 = vector.load %arg1[%get3A, %get3A_0, %get3A_1] : memref<2x1000x128xf32, #tpu.memory_space<vmem>>, vector<2x1000x128xf32>
    %slice3A = vector.extract_strided_slice %get3A_2 {offsets = [0, 0, 0], sizes = [1, 1000, 128], strides = [1, 1, 1]} : vector<2x1000x128xf32> to vector<1x1000x128xf32>
    %squeeze3A = vector.shape_cast %slice3A : vector<1x1000x128xf32> to vector<1000x128xf32>
    %slice3A_3 = vector.extract_strided_slice %get3A_2 {offsets = [1, 0, 0], sizes = [1, 1000, 128], strides = [1, 1, 1]} : vector<2x1000x128xf32> to vector<1x1000x128xf32>
    %squeeze3A_4 = vector.shape_cast %slice3A_3 : vector<1x1000x128xf32> to vector<1000x128xf32>
    %add3A = arith.addf %squeeze3A, %squeeze3A_4 : vector<1000x128xf32>
    %get3A_5 = arith.constant 0 : index
    %get3A_6 = arith.constant 0 : index
    %get3A_7 = vector.load %arg2[%get3A_5, %get3A_6] : memref<1000x32xf32, #tpu.memory_space<vmem>>, vector<1000x32xf32>
    %reduce_sum3A = arith.constant dense<0.000000e+00> : vector<1000xf32>
    %reduce_sum3A_8 = vector.multi_reduction <add>, %get3A_7, %reduce_sum3A [1] : vector<1000x32xf32> to vector<1000xf32>
    %max3A = arith.constant 1.000000e+00 : f32
    %max3A_9 = vector.broadcast %max3A : f32 to vector<1000xf32>
    %max3A_10 = arith.maximumf %reduce_sum3A_8, %max3A_9 : vector<1000xf32>
    %broadcast_in_dim3A = vector.shape_cast %max3A_10 : vector<1000xf32> to vector<1000x1xf32>
    %get3A_11 = arith.constant 0 : index
    %get3A_12 = arith.constant 0 : index
    %get3A_13 = vector.load %arg3[%get3A_11, %get3A_12] : memref<128x128xf32, #tpu.memory_space<vmem>>, vector<128x128xf32>
    %get3A_14 = arith.constant 0 : index
    %get3A_15 = arith.constant 0 : index
    %get3A_16 = vector.load %arg5[%get3A_14, %get3A_15] : memref<3x128xf32, #tpu.memory_space<vmem>>, vector<3x128xf32>
    %dot_general3A = arith.constant dense<0.000000e+00> : vector<128x3xf32>
    %dot_general3A_17 = tpu.matmul %get3A_13, %get3A_16, %dot_general3A {dimension_numbers = #tpu.dot_dimension_numbers<[0], [1], [1], [0], [0, 1, 1, 0], [], []>, transpose_lhs_hint = false} : vector<128x128xf32>, vector<3x128xf32>, vector<128x3xf32> -> vector<128x3xf32>
    %div3A = vector.broadcast %broadcast_in_dim3A : vector<1000x1xf32> to vector<1000x128xf32>
    %div3A_18 = arith.divf %add3A, %div3A : vector<1000x128xf32>
    %dot_general3A_19 = arith.constant dense<0.000000e+00> : vector<1000x3xf32>
    %dot_general3A_20 = tpu.matmul %div3A_18, %dot_general3A_17, %dot_general3A_19 {dimension_numbers = #tpu.dot_dimension_numbers<[1], [0], [0], [1], [0, 0, 1, 1], [], []>, transpose_lhs_hint = false} : vector<1000x128xf32>, vector<128x3xf32>, vector<1000x3xf32> -> vector<1000x3xf32>
    %get3A_21 = arith.constant 0 : index
    %get3A_22 = arith.constant 0 : index
    %get3A_23 = vector.load %arg4[%get3A_21, %get3A_22] : memref<1x128xf32, #tpu.memory_space<vmem>>, vector<1x128xf32>
    %get3A_24 = arith.constant 0 : index
    %get3A_25 = arith.constant 0 : index
    %get3A_26 = vector.load %arg5[%get3A_24, %get3A_25] : memref<3x128xf32, #tpu.memory_space<vmem>>, vector<3x128xf32>
    %dot_general3A_27 = arith.constant dense<0.000000e+00> : vector<1x3xf32>
    %dot_general3A_28 = tpu.matmul %get3A_23, %get3A_26, %dot_general3A_27 {dimension_numbers = #tpu.dot_dimension_numbers<[1], [1], [0], [0], [0, 0, 1, 0], [], []>, transpose_lhs_hint = false} : vector<1x128xf32>, vector<3x128xf32>, vector<1x3xf32> -> vector<1x3xf32>
    %add3A_29 = vector.broadcast %dot_general3A_28 : vector<1x3xf32> to vector<1000x3xf32>
    %add3A_30 = arith.addf %dot_general3A_20, %add3A_29 : vector<1000x3xf32>
    %get3A_31 = arith.constant 0 : index
    %get3A_32 = arith.constant 0 : index
    %get3A_33 = vector.load %arg6[%get3A_31, %get3A_32] : memref<1x3xf32, #tpu.memory_space<vmem>>, vector<1x3xf32>
    %add3A_34 = vector.broadcast %get3A_33 : vector<1x3xf32> to vector<1000x3xf32>
    %add3A_35 = arith.addf %add3A_30, %add3A_34 : vector<1000x3xf32>
    %swap3A = arith.constant 0 : index
    %swap3A_36 = arith.constant 0 : index
    %swap3A_37 = vector.load %arg7[%swap3A, %swap3A_36] : memref<1000x3xf32, #tpu.memory_space<vmem>>, vector<1000x3xf32>
    tpu.vector_store %arg7[%swap3A, %swap3A_36], %add3A_35 {strides = array<i32>} : memref<1000x3xf32, #tpu.memory_space<vmem>>, vector<1000x3xf32>,
    return
  }
  func.func @transform_0(%arg0: i32) -> (i32, i32, i32) {
    %c0_i32 = arith.constant 0 : i32
    %c0_i32_0 = arith.constant 0 : i32
    %c0_i32_1 = arith.constant 0 : i32
    return %c0_i32, %arg0, %c0_i32_0 : i32, i32, i32
  }
  func.func @transform_1(%arg0: i32) -> (i32, i32) {
    %c0_i32 = arith.constant 0 : i32
    %c0_i32_0 = arith.constant 0 : i32
    return %arg0, %c0_i32 : i32, i32
  }
  func.func @transform_2(%arg0: i32) -> (i32, i32) {
    %c0_i32 = arith.constant 0 : i32
    %c0_i32_0 = arith.constant 0 : i32
    %c0_i32_1 = arith.constant 0 : i32
    return %c0_i32, %c0_i32_0 : i32, i32
  }
  func.func @transform_3(%arg0: i32) -> (i32, i32) {
    %c0_i32 = arith.constant 0 : i32
    %c0_i32_0 = arith.constant 0 : i32
    %c0_i32_1 = arith.constant 0 : i32
    return %c0_i32, %c0_i32_0 : i32, i32
  }
  func.func @transform_4(%arg0: i32) -> (i32, i32) {
    %c0_i32 = arith.constant 0 : i32
    %c0_i32_0 = arith.constant 0 : i32
    %c0_i32_1 = arith.constant 0 : i32
    return %c0_i32, %c0_i32_0 : i32, i32
  }
  func.func @transform_5(%arg0: i32) -> (i32, i32) {
    %c0_i32 = arith.constant 0 : i32
    %c0_i32_0 = arith.constant 0 : i32
    %c0_i32_1 = arith.constant 0 : i32
    return %c0_i32, %c0_i32_0 : i32, i32
  }
  func.func @transform_6(%arg0: i32) -> (i32, i32) {
    %c0_i32 = arith.constant 0 : i32
    %c0_i32_0 = arith.constant 0 : i32
    return %arg0, %c0_i32 : i32, i32
  }
}

</mosaic_0001>

<sc_bundles>
// kernel: kernel.4.cloned.1.call-start
scs
__scs_entry_jumppad:
0x0: {  	(pc) =	sbr.rel $0x88, $3  }
0x1: {  	(tag) =	ssettag $0x0;
	lr =	simm.s32 $0x1  }
0x2: {  	[smem:$0x3F9B] =	sst lr;
	_ =	strace $0xD0000000  }
0x3: {  	_ = 	snop  }
0x4: {  	_ = 	snop  }
0x5: {  	_ = 	snop  }
0x6: {  	_ = 	snop  }
0x7: {  	_ = 	snop  }
__scs_overlays_trampoline_lowered:
0x8: {  	[smem:$0x3FAA] =	sst s0  }
0x9: {  	[smem:$0x3FAB] =	sst s1  }
0xa: {  	[smem:$0x3FAC] =	sst s2  }
0xb: {  	[smem:$0x3FAD] =	sst s3  }
0xc: {  	[smem:$0x3FAE] =	sst s4  }
0xd: {  	[smem:$0x3FAF] =	sst s5  }
0xe: {  	[smem:$0x3FB0] =	sst s6  }
0xf: {  	[smem:$0x3FB1] =	sst s7  }
0x10: {  	[smem:$0x3FB2] =	sst s8  }
0x11: {  	[smem:$0x3FB3] =	sst s9;
	s0 =	simm.s32 @!p0 $0x0  }
0x12: {  	s1 =	sld [smem:$0x3F99];
	s0 =	simm.s32 @p0 $0x1  }
0x13: {  	[smem:$0x3FB4] =	sst s0;
	s0 =	simm.s32 @!p1 $0x0  }
0x14: {  	s2 =	sld [smem:$0x3F98];
	s0 =	simm.s32 @p1 $0x1  }
0x15: {  	[smem:$0x3FB5] =	sst s0;
	s0 =	simm.s32 @!p2 $0x0  }
0x16: {  	s3 =	sld [smem:$0x3FDB];
	s0 =	simm.s32 @p2 $0x1  }
0x17: {  	s4 =	simm.s32 $0x1BF5;
	[smem:$0x3FB7] =	sst s0  }
0x18: {  	s0 =	sld [smem:$0x3F9A];
	_ =	swait.ge [sflag:s4], $0x0  }
0x19: {  	s7 =	sld [smem:$0x3F9B]  }
0x1a: {  	s8 =	sadd.s32 $0xFFFFE003, lr  }
0x1b: {  	s9 =	sadd.s32 $0xFFFFFEF7, lr;
	s5 =	simm.s32 $0xFFFFFFFF;
	p2 =	slt.u32 s8, $0xFFFFF086  }
0x1c: {  	p1 =	slt.u32 s9, $0xF7A;
	s5 =	simm.s32 @!p2 $0x0  }
0x1d: {  	s5 =	simm.s32 @p1 $0x1;
	p0 =	seq.s32 s7, s2  }
0x1e: {  	s7 =	smul.u32 @!p0 $0xF7A, s2;
	p2 =	seq.s32 @!p0 s5, $0x0  }
0x1f: {  	s9 =	smul.u32 $0xF7A, s1;
	s8 =	simm.s32 @!p0 $0x1BF5;
	p2 =	por !p2, p0  }
0x20: {  	[sflag:s8] =	ssyncset.s32 @!p0 $0xFFFFF086;
	s6 =	sadd.s32 @!p0 s3, s7;
	s7 =	simm.s32 @!p0 $0x108  }
0x21: {  	s3 =	sadd.s32 s3, s9;
	s6 =	sadd.s32 @!p0 $0x88, s6;
	s7 =	simm.s32 @p2 $0x1082  }
0x22: {  	[simem:s7], [sflag:s8] =	dma.local @!p0 [hbm:s6], $0xF7A  }
0x23: {  	s9 =	sor.u32 $0xD0000000, s2;
	s6 =	simm.s32 $0x108;
	_ =	swait.ge @!p0 [sflag:s8], $0x0  }
0x24: {  	s3 =	sadd.s32 $0x88, s3;
	s6 =	simm.s32 @!p1 $0x1082;
	[sflag:s4] =	ssyncset.s32 $0xFFFFF086  }
0x25: {  	[simem:s6], [sflag:s4] =	dma.local [hbm:s3], $0xF7A  }
0x26: {  	[smem:$0x3F9B] =	sst s1;
	(tag) =	ssettag s2;
	_ =	strace s9  }
0x27: {  	s1 =	sld [smem:$0x3FAB]  }
0x28: {  	s2 =	sld [smem:$0x3FAC]  }
0x29: {  	s4 =	sld [smem:$0x3FAE]  }
0x2a: {  	p0 =	seq.s32 s5, $0x0;
	s5 =	sld [smem:$0x3FAF]  }
0x2b: {  	s6 =	sld [smem:$0x3FB0]  }
0x2c: {  	s7 =	sld [smem:$0x3FB1]  }
0x2d: {  	s3 =	simm.s32 $0x108;
	s8 =	sld [smem:$0x3FB2]  }
0x2e: {  	s3 =	simm.s32 @!p0 $0x1082;
	s9 =	sld [smem:$0x3FB3]  }
0x2f: {  	lr =	sadd.s32 s0, s3;
	s0 =	sld [smem:$0x3FAA]  }
0x30: {  	s3 =	sld [smem:$0x3FAD]  }
0x31: {  	[smem:$0x3FB6] =	sst s10  }
0x32: {  	s10 =	sld [smem:$0x3FB4];
	_ =	sdelay $0x3  }
0x33: {  	p0 =	seq.s32 s10, $0x1;
	s10 =	sld [smem:$0x3FB6];
	_ =	sdelay $0x3  }
0x34: {  	[smem:$0x3FB6] =	sst s10  }
0x35: {  	s10 =	sld [smem:$0x3FB5];
	_ =	sdelay $0x3  }
0x36: {  	p1 =	seq.s32 s10, $0x1;
	s10 =	sld [smem:$0x3FB6];
	_ =	sdelay $0x3  }
0x37: {  	[smem:$0x3FB6] =	sst s10  }
0x38: {  	s10 =	sld [smem:$0x3FB7]  }
0x39: {  	_ = 	snop;
	(pc) =	sbr.ind lr, $3  }
0x3a: {  	_ = 	snop  }
0x3b: {  	_ = 	snop  }
0x3c: {  	p2 =	seq.s32 s10, $0x1;
	s10 =	sld [smem:$0x3FB6]  }
0x3d: {  	_ =	shalt  }
0x3e: {  	_ =	shalt  }
0x3f: {  	_ =	shalt  }
0x40: {  	_ =	shalt  }
0x41: {  	_ =	shalt  }
0x42: {  	_ =	shalt  }
0x43: {  	_ =	shalt  }
0x44: {  	_ =	shalt  }
0x45: {  	_ =	shalt  }
0x46: {  	_ =	shalt  }
0x47: {  	_ =	shalt  }
0x48: {  	_ =	shalt  }
0x49: {  	_ =	shalt  }
0x4a: {  	_ =	shalt  }
0x4b: {  	_ =	shalt  }
0x4c: {  	_ =	shalt  }
0x4d: {  	_ =	shalt  }
0x4e: {  	_ =	shalt  }
0x4f: {  	_ =	shalt  }
0x50: {  	_ =	shalt  }
0x51: {  	_ =	shalt  }
0x52: {  	_ =	shalt  }
0x53: {  	_ =	shalt  }
0x54: {  	_ =	shalt  }
0x55: {  	_ =	shalt  }
0x56: {  	_ =	shalt  }
0x57: {  	_ =	shalt  }
0x58: {  	_ =	shalt  }
0x59: {  	_ =	shalt  }
0x5a: {  	_ =	shalt  }
0x5b: {  	_ =	shalt  }
0x5c: {  	_ =	shalt  }
0x5d: {  	_ =	shalt  }
0x5e: {  	_ =	shalt  }
0x5f: {  	_ =	shalt  }
0x60: {  	_ =	shalt  }
0x61: {  	_ =	shalt  }
0x62: {  	_ =	shalt  }
0x63: {  	_ =	shalt  }
0x64: {  	_ =	shalt  }
0x65: {  	_ =	shalt  }
0x66: {  	_ =	shalt  }
0x67: {  	_ =	shalt  }
0x68: {  	_ =	shalt  }
0x69: {  	_ =	shalt  }
0x6a: {  	_ =	shalt  }
0x6b: {  	_ =	shalt  }
0x6c: {  	_ =	shalt  }
0x6d: {  	_ =	shalt  }
0x6e: {  	_ =	shalt  }
0x6f: {  	_ =	shalt  }
0x70: {  	_ =	shalt  }
0x71: {  	_ =	shalt  }
0x72: {  	_ =	shalt  }
0x73: {  	_ =	shalt  }
0x74: {  	_ =	shalt  }
0x75: {  	_ =	shalt  }
0x76: {  	_ =	shalt  }
0x77: {  	_ =	shalt  }
0x78: {  	_ =	shalt  }
0x79: {  	_ =	shalt  }
0x7a: {  	_ =	shalt  }
0x7b: {  	_ =	shalt  }
0x7c: {  	_ =	shalt  }
0x7d: {  	_ =	shalt  }
0x7e: {  	_ =	shalt  }
0x7f: {  	_ =	shalt  }
0x80: {  	_ =	shalt  }
0x81: {  	_ =	shalt  }
0x82: {  	_ =	shalt  }
0x83: {  	_ =	shalt  }
0x84: {  	_ =	shalt  }
0x85: {  	_ =	shalt  }
0x86: {  	_ =	shalt  }
0x87: {  	_ =	shalt  }
.Lfunc_end0:
.L_simem_size_0:
called_computation_lowered:
.L_overlay_start_0:
0x88: {  	s2 =	sld [smem:$0x3FD9]  }
0x89: {  	s3 =	sld [smem:$0x3FFE];
	_ =	sdelay $0x1  }
0x8a: {  	s1 =	srdreg.scid  }
0x8b: {  	s0 =	sand.u32 $0x1, s1  }
0x8c: {  	s17 =	sshll.u32 s0, $0xA;
	s2 =	sadd.s32 s3, s2  }
0x8d: {  	s2 =	sadd.s32 s2, s17  }
0x8e: {  	[smem:$0x3FC2] =	sst s2  }
0x8f: {  	_ = 	snop  }
0x90: {  	s2 =	sld [smem:$0x3FC9]  }
0x91: {  	s18 =	sld [smem:$0x3FD0];
	(tm) =	ssettm $0x1  }
0x92: {  	s4 =	sld [smem:$0x3FFB];
	_ =	sdelay $0x3  }
0x93: {  	_ =	strace s4  }
0x94: {  	s4 =	sld [smem:$0x3FFC];
	_ =	sdelay $0x3  }
0x95: {  	_ =	strace s4  }
0x96: {  	s4 =	sld [smem:$0x3FFD];
	_ =	sdelay $0x3  }
0x97: {  	_ =	strace s4  }
0x98: {  	_ =	strace $0x8FFFFFFF  }
0x99: {  	s19 =	sld [smem:$0x3FDB];
	_ =	sdelay $0x1  }
0x9a: {  	s5 =	simm.s32 $_scs_section_size  }
0x9b: {  	s6 =	simm.s32 $_size__tile_overlayer_lowered;
	s7 =	simm.s32 $_tile_overlayer_lowered  }
0x9c: {  	s22 =	simm.s32 $0x1BFF;
	s21 =	sshll.u32 s7, $0x1;
	s4 =	sadd.s32 s5, s19  }
0x9d: {  	s8 =	simm.s32 $0x0;
	s20 =	sshll.u32 s6, $0x1;
	s6 =	sadd.s32 s21, s4  }
0x9e: {  	[timem:s8], [sflag:s22] =	dma.local [hbm:s6], s20  }
0x9f: {  	_ =	swait.ge [sflag:s22], s20  }
0xa0: {  	s5 =	ssub.s32 $0x0, s20;
	[sflag:s22] =	ssyncset.done $0x0  }
0xa1: {  	[sflag:s22] =	ssyncadd.s32 s5;
	_ =	sdelay $0x1  }
0xa2: {  	s23 =	simm.s32 $0x1B8B  }
0xa3: {  	_ =	swait.ge [sflag:s23], $0x1  }
0xa4: {  	[sflag:s23] =	ssyncset.done $0x0  }
0xa5: {  	s25 =	simm.s32 $0x1B8E;
	s24 =	sld [smem:$0x3FFE];
	[sflag:s23] =	ssyncadd.s32 $0xFFFFFFFF  }
0xa6: {  	s26 =	simm.s32 $execute0_lowered;
	[smem:$0x3FD2] =	sst s25  }
0xa7: {  	s6 =	sshll.u32 s26, $0x1;
	_ =	strace $0x80000046;
	[dreg:$0x1] =	wrdreg $0xFFFFFFFF  }
0xa8: {  	s28 =	simm.s32 $_size_execute0_lowered;
	s4 =	sadd.s32 s4, s6;
	[dreg:$0x0] =	wrdreg $0x0  }
0xa9: {  	s6 =	sshll.u32 s28, $0x1;
	[dreg:$0x2] =	wrdreg s4  }
0xaa: {  	[dreg:$0x3] =	wrdreg s6  }
0xab: {  	[dreg:$0x4] =	wrdreg $0xC0  }
0xac: {  	_ =	task [dreg:s8], $0x5FFFF  }
0xad: {  	[dreg:$0x1] =	wrdreg $0xFFFFFFFF  }
0xae: {  	[dreg:$0x0] =	wrdreg $0x60  }
0xaf: {  	[dreg:$0x2] =	wrdreg s2  }
0xb0: {  	[dreg:$0x3] =	wrdreg s24  }
0xb1: {  	[dreg:$0x4] =	wrdreg s18  }
0xb2: {  	[dreg:$0x5] =	wrdreg $0x0  }
0xb3: {  	[dreg:$0x6] =	wrdreg $0x9  }
0xb4: {  	_ =	task.clear_ibuf [dreg:s8], $0x7FFFF;
	_ =	strace $0x90000046  }
0xb5: {  	s29 =	simm.s32 $0x9;
	_ =	strace $0x80000048  }
0xb6: {  	_ =	swait.ge [sflag:s29], $0x1  }
0xb7: {  	[sflag:s29] =	ssyncadd.s32 $0xFFFFFFFF  }
0xb8: {  	_ =	strace $0x90000048  }
0xb9: {  	_ =	sfence  }
0xba: {  	s30 =	sld [smem:$0x0];
	_ =	sdelay $0x2  }
0xbb: {  	s31 =	sshll.u32 s1, $0xD;
	s1 =	sshrl.u32 s1, $0x2  }
0xbc: {  	s3 =	sand.u32 $0x4000, s31;
	s1 =	sadd.s32 s1, s30  }
0xbd: {  	s0 =	sor.u32 s3, s0;
	s1 =	sshll.u32 s1, $0x11  }
0xbe: {  	s0 =	sor.u32 s1, s0  }
0xbf: {  	s0 =	sadd.s32 $0x8F2B, s0  }
0xc0: {  	[sflag:s0] =	ssyncadd.remote.s32 $0x1  }
0xc1: {  	_ =	sfence.sel $0xFFFF  }
0xc2: {  	[dreg:$0x0] =	wrdreg $0xFFFFFFFF;
	(pc) =	sbr.abs _section_cstart, $3  }
0xc3: {  	[dreg:$0x1] =	wrdreg $0xFFFFFFFF  }
0xc4: {  	_ =	task.clear_ibuf [dreg:s8], $0x2FFFF;
	_ =	strace $0x9FFFFFFF  }
0xc5: {  	(tm) =	ssettm $0x7FFFFFFF  }
tec
execute0_lowered:
.L_overlay_start_1:
0x0: {  	(tag) =	ssettag $0x1  }
0x1: {  	s1 =	rddreg [dreg:$0x0]  }
0x2: {  	s0 =	rddreg [dreg:$0x1];
	s2 =	srdreg.scid  }
0x3: {  	s20 =	stileid.u32;
	s4 =	rddreg [dreg:$0x3];
	s23 =	simm.s32 $0x0  }
0x4: {  	s29 =	simm.s32 $0x15880;
	s2 =	sand.u32 $0x1, s2;
	s21 =	smul.u32 $0x500, s20  }
0x5: {  	s30 =	simm.s32 $0xA;
	s19 =	sor.u32 $0x10, s20;
	s5 =	smul.u32 $0x27100, s2  }
0x6: {  	s31 =	simm.s32 $0x13880;
	s10 =	sor.u32 $0x20, s20;
	s9 =	smul.u32 $0xA000, s19  }
0x7: {  	s28 =	simm.s32 $0x1D080;
	s12 =	sor.u32 $0x30, s20;
	s13 =	smul.u32 $0x500, s10  }
0x8: {  	s3 =	sshll.u32 s20, $0x1;
	s17 =	sor.u32 $0x60, s20;
	s14 =	smul.u32 $0x500, s12  }
0x9: {  	[smem:$0x7FF] =	sst s23;
	s18 =	sor.u32 $0x70, s20;
	s22 =	smul.u32 $0x500, s17  }
0xa: {  	s7 =	sadd.s32 $0x1200, s0;
	s3 =	sor.u32 s2, s3;
	s26 =	smul.u32 $0x500, s18  }
0xb: {  	s15 =	sor.u32 $0x50, s20;
	p1 =	sgt.u32 s20, $0xC;
	s8 =	smul.u32 $0x4E2, s3  }
0xc: {  	_ =	strace $0x80000047;
	s2 =	ssub.s32 $0x2, s2;
	s6 =	smul.u32 $0x5000, s3  }
0xd: {  	p0 =	sgt.u32 s18, $0x7C;
	s3 =	smul.u32 $0x500, s19;
	s11 =	sshrl.u32 s2, $0x1  }
0xe: {  	s19 =	smul.u32 $0x500, s15;
	s5 =	sadd.s32 s5, s0;
	s2 =	ssub.s32 s2, s11  }
0xf: {  	s11 =	sor.u32 $0x40, s20;
	s9 =	sshrl.u32 s9, $0x2;
	s0 =	sadd.s32 s8, s0  }
0x10: {  	s5 =	sadd.s32 $0x33000, s5;
	s16 =	smul.u32 $0x500, s11;
	s2 =	smax.u32 s2, $0x1  }
0x11: {  	s11 =	smul.u32 $0xA000, s11;
	s8 =	sadd.s32 s5, s21;
	[dreg:$0xf] =	wrdreg s2  }
0x12: {  	s3 =	sadd.s32 s5, s3;
	s24 =	sadd.s32 s5, s13;
	[dreg:$0x5] =	wrdreg s8  }
0x13: {  	s25 =	sadd.s32 s5, s14;
	s21 =	sshrl.u32 s6, $0x3;
	[dreg:$0x6] =	wrdreg s3  }
0x14: {  	s0 =	sadd.s32 $0x29200, s0;
	s2 =	sadd.s32 s9, s4;
	[dreg:$0x7] =	wrdreg s24  }
0x15: {  	s9 =	simm.s32 $0x16C80;
	s13 =	simm.s32 $0x19480;
	[dreg:$0x8] =	wrdreg s25  }
0x16: {  	s14 =	sadd.s32 s5, s16;
	s16 =	sadd.s32 s5, s19;
	[dreg:$0xe] =	wrdreg s0  }
0x17: {  	s3 =	sadd.s32 s5, s22;
	s22 =	smul.u32 $0xA000, s20;
	[dreg:$0x11] =	wrdreg s2  }
0x18: {  	s19 =	sadd.s32 s5, s26;
	s8 =	smul.u32 $0xA000, s12;
	[dreg:$0x9] =	wrdreg s14  }
0x19: {  	s24 =	sadd.s32 s7, s21;
	s12 =	smul.u32 $0xA000, s15;
	[dreg:$0xa] =	wrdreg s16  }
0x1a: {  	s15 =	smul.u32 $0xA000, s17;
	s2 =	simm.s32 $0x7;
	[dreg:$0xb] =	wrdreg s3  }
0x1b: {  	s20 =	simm.s32 $0x5;
	[dreg:$0xc] =	wrdreg s19;
	s3 =	smul.u32 $0xA000, s10  }
0x1c: {  	s16 =	smul.u32 $0xA000, s18;
	[dreg:$0xd] =	wrdreg s24;
	s5 =	sshrl.u32 s22, $0x2  }
0x1d: {  	s14 =	sshrl.u32 s8, $0x2;
	s18 =	sshrl.u32 s12, $0x2;
	s19 =	sshrl.u32 s15, $0x2  }
0x1e: {  	s22 =	sadd.s32 $0x14000, s24;
	s12 =	simm.s32 $0x13928;
	s15 =	simm.s32 $0x2  }
0x1f: {  	s24 =	simm.s32 $0x0;
	s10 =	sadd.s32 s5, s4;
	s0 =	sshrl.u32 s3, $0x2  }
0x20: {  	s5 =	sshrl.u32 s11, $0x2;
	s26 =	sadd.s32 s18, s4;
	[dreg:$0x18] =	wrdreg s22  }
0x21: {  	s21 =	sshrl.u32 s16, $0x2;
	s8 =	sadd.s32 s19, s4;
	[dreg:$0x19] =	wrdreg s24  }
0x22: {  	s11 =	simm.s32 $0x18080;
	s18 =	simm.s32 $0x1BC80;
	[dreg:$0x10] =	wrdreg s10  }
0x23: {  	s16 =	simm.s32 $0x50;
	s19 =	simm.s32 $0x4;
	[dreg:$0x15] =	wrdreg s26  }
0x24: {  	s22 =	simm.s32 $0x15480;
	s0 =	sadd.s32 s0, s4;
	[dreg:$0x16] =	wrdreg s8  }
0x25: {  	s17 =	sadd.s32 s5, s4;
	s25 =	sadd.s32 s21, s4;
	[dreg:$0x12] =	wrdreg s0  }
0x26: {  	s5 =	simm.s32 $0x3;
	s21 =	simm.s32 $0x6;
	[dreg:$0x14] =	wrdreg s17  }
0x27: {  	s0 =	sadd.s32 s14, s4;
	s14 =	simm.s32 $0x1;
	[dreg:$0x17] =	wrdreg s25  }
0x28: {  	v0 =	vimm.f32 $0.0e+00;
	v1 =	vimm.f32 $1.000000000e+00;
	s17 =	simm.s32 $0x1A880;
	[dreg:$0x13] =	wrdreg s0;
	s0 =	simm.s32 $0x28  }
.LBB2_1:
0x29: {  	s3 =	rddreg [dreg:$0x2]  }
0x2a: {  	[tilespmem:s29], [sflag:$0xA] =	stream.linear.gather [hbm4b:s3+s23], $0x2800, $0x38;
	[tilespmem:$0x1F800] =	vst v63  }
0x2b: {  	_ =	swait.ge [sflag:s30], $0x2800  }
0x2c: {  	[sflag:s30] =	ssyncset.done $0x0  }
0x2d: {  	s24 =	rddreg [dreg:$0xd];
	[sflag:s30] =	ssyncadd.s32 $0xFFFFD800  }
0x2e: {  	[tilespmem:s31], [sflag:$0x7] =	stream.linear.gather [hbm4b:s24+s23], $0xC80, $0x38;
	[tilespmem:$0x1F800] =	vst v63  }
0x2f: {  	s3 =	rddreg [dreg:$0x18];
	s24 =	simm.s32 $0x14880  }
0x30: {  	[tilespmem:s24], [sflag:$0x7] =	stream.linear.gather [hbm4b:s3+s23], $0xC80, $0x38;
	[tilespmem:$0x1F800] =	vst v63  }
0x31: {  	_ = 	snop  }
0x32: {  	[spmem:s10] =	stream.linear.scatter [tilespmem:s29], [sflag:$0x8], $0x2800, $0x38;
	[tilespmem:$0x1F800] =	vst v63  }
0x33: {  	s24 =	rddreg [dreg:$0x11]  }
0x34: {  	[spmem:s24] =	stream.linear.scatter [tilespmem:s29], [sflag:$0x8], $0x2800, $0x38;
	[tilespmem:$0x1F800] =	vst v63  }
0x35: {  	s10 =	rddreg [dreg:$0x12]  }
0x36: {  	[spmem:s10] =	stream.linear.scatter [tilespmem:s29], [sflag:$0x8], $0x2800, $0x38;
	[tilespmem:$0x1F800] =	vst v63  }
0x37: {  	s23 =	rddreg [dreg:$0x13]  }
0x38: {  	[spmem:s23] =	stream.linear.scatter [tilespmem:s29], [sflag:$0x8], $0x2800, $0x38;
	[tilespmem:$0x1F800] =	vst v63  }
0x39: {  	s24 =	rddreg [dreg:$0x14]  }
0x3a: {  	[spmem:s24] =	stream.linear.scatter [tilespmem:s29], [sflag:$0x8], $0x2800, $0x38;
	[tilespmem:$0x1F800] =	vst v63  }
0x3b: {  	_ = 	snop  }
0x3c: {  	[spmem:s26] =	stream.linear.scatter [tilespmem:s29], [sflag:$0x8], $0x2800, $0x38;
	[tilespmem:$0x1F800] =	vst v63  }
0x3d: {  	_ = 	snop  }
0x3e: {  	[spmem:s8] =	stream.linear.scatter [tilespmem:s29], [sflag:$0x8], $0x2800, $0x38;
	[tilespmem:$0x1F800] =	vst v63  }
0x3f: {  	s24 =	simm.s32 @!p0 $0x15880  }
0x40: {  	[spmem:s25] =	stream.linear.scatter @!p0 [tilespmem:s24], [sflag:$0x8], $0x2800, $0x38;
	[tilespmem:$0x1F800] =	vst v63  }
0x41: {  	s24 =	simm.s32 $0x40;
	s25 =	simm.s32 $0x0  }
.LBB2_2:
0x42: {  	p2 =	sne.s32 s24, $0x9C00;
	[tilespmem:s25+$0x1D080] =	vst v0;
	s25 =	smov.u32 s24;
	s24 =	sadd.s32 $0x40, s24  }
.Ltmp0:
0x43: {  	(pc) =	sbr.rel @p2 .LBB2_2-.Ltmp0, $2  }
0x44: {  	_ =	sdelay $0x2  }
0x45: {  	s25 =	sshra.s32 s25, $0x2  }
0x46: {  	[tilespmem:s25+$0x1D080] =	vst v0;
	s3 =	simm.s32 $0x8  }
0x47: {  	_ =	swait.ge [sflag:s3], $0x2800  }
0x48: {  	[sflag:s3] =	ssyncset.done $0x0  }
0x49: {  	[sflag:s3] =	ssyncadd.s32 $0xFFFFD800  }
0x4a: {  	_ =	swait.ge [sflag:s3], $0x2800  }
0x4b: {  	[sflag:s3] =	ssyncset.done $0x0  }
0x4c: {  	[sflag:s3] =	ssyncadd.s32 $0xFFFFD800  }
0x4d: {  	_ =	swait.ge [sflag:s3], $0x2800  }
0x4e: {  	[sflag:s3] =	ssyncset.done $0x0  }
0x4f: {  	[sflag:s3] =	ssyncadd.s32 $0xFFFFD800  }
0x50: {  	_ =	swait.ge [sflag:s3], $0x2800  }
0x51: {  	[sflag:s3] =	ssyncset.done $0x0  }
0x52: {  	[sflag:s3] =	ssyncadd.s32 $0xFFFFD800  }
0x53: {  	_ =	swait.ge [sflag:s3], $0x2800  }
0x54: {  	[sflag:s3] =	ssyncset.done $0x0  }
0x55: {  	[sflag:s3] =	ssyncadd.s32 $0xFFFFD800  }
0x56: {  	_ =	swait.ge [sflag:s3], $0x2800  }
0x57: {  	[sflag:s3] =	ssyncset.done $0x0  }
0x58: {  	[sflag:s3] =	ssyncadd.s32 $0xFFFFD800  }
0x59: {  	_ =	swait.ge [sflag:s3], $0x2800  }
0x5a: {  	[sflag:s3] =	ssyncset.done $0x0  }
0x5b: {  	s24 =	simm.s32 @!p1 $0x8;
	[sflag:s3] =	ssyncadd.s32 $0xFFFFD800  }
0x5c: {  	_ =	swait.ge @!p1 [sflag:s24], $0x2800  }
0x5d: {  	[sflag:s24] =	ssyncset.done @!p1 $0x0  }
0x5e: {  	[sflag:s24] =	ssyncadd.s32 @!p1 $0xFFFFD800  }
0x5f: {  	s25 =	simm.s32 $0x0;
	[bflag:$0x0] =	sbarrier.arrive $0xFFFF  }
.LBB2_4:
0x60: {  	_ =	swait.ge [sflag:s2], $0xC80  }
0x61: {  	[sflag:s2] =	ssyncset.done $0x0  }
0x62: {  	[sflag:s2] =	ssyncadd.s32 $0xFFFFF380  }
0x63: {  	_ =	swait.ge [sflag:s2], $0xC80  }
0x64: {  	[sflag:s2] =	ssyncset.done $0x0  }
0x65: {  	[sflag:s2] =	ssyncadd.s32 $0xFFFFF380  }
0x66: {  	[tilespmem:s29], [sflag:$0x1] =	stream.indirect.gather [hbm4b:s1+s0], $0x80, s31, s0, $0xb8;
	[tilespmem:$0x1F800] =	vst v63  }
0x67: {  	s3 =	simm.s32 $0x138A8  }
0x68: {  	[tilespmem:s9], [sflag:$0x2] =	stream.indirect.gather [hbm4b:s1+s0], $0x80, s3, s0, $0xb8;
	[tilespmem:$0x1F800] =	vst v63  }
0x69: {  	s26 =	simm.s32 $0x13900  }
0x6a: {  	[tilespmem:s11], [sflag:$0x3] =	stream.indirect.gather [hbm4b:s1+s0], $0x80, s26, s0, $0xb8;
	[tilespmem:$0x1F800] =	vst v63  }
0x6b: {  	s26 =	simm.s32 $0x0  }
0x6c: {  	[tilespmem:s13], [sflag:$0x4] =	stream.indirect.gather [hbm4b:s1+s0], $0x80, s12, s0, $0xb8;
	[tilespmem:$0x1F800] =	vst v63  }
.LBB2_5:
0x6d: {  	_ =	swait.ge [sflag:s14], $0x1400  }
0x6e: {  	[sflag:s14] =	ssyncset.done $0x0  }
0x6f: {  	[sflag:s14] =	ssyncadd.s32 $0xFFFFEC00  }
0x70: {  	_ =	swait.ge [sflag:s15], $0x1400  }
0x71: {  	s24 =	sshra.s32 s26, $0x2;
	[sflag:s15] =	ssyncset.done $0x0  }
0x72: {  	s3 =	sadd.s32 $0x13980, s24;
	[sflag:s15] =	ssyncadd.s32 $0xFFFFEC00  }
0x73: {  	[tilespmem:s17], [sflag:$0x5] =	stream.indirect.gather [hbm4b:s1+s0], $0x80, s3, s0, $0xb8;
	[tilespmem:$0x1F800] =	vst v63  }
0x74: {  	s8 =	sadd.s32 $0x139A8, s24  }
0x75: {  	[tilespmem:s18], [sflag:$0x6] =	stream.indirect.gather [hbm4b:s1+s0], $0x80, s8, s0, $0xb8;
	[tilespmem:$0x1F800] =	vst v63  }
0x76: {  	s10 =	sadd.s32 $0x14880, s24  }
0x77: {  	[spmem:s4] =	stream.indirect.scatter.add.f32 [tilespmem:s29], [sflag:$0xA], $0x80, s10, s16, $0xb8;
	[tilespmem:$0x1F800] =	vst v63  }
0x78: {  	_ =	swait.ge [sflag:s30], $0x2800  }
0x79: {  	[sflag:s30] =	ssyncset.done $0x0  }
0x7a: {  	[sflag:s30] =	ssyncadd.s32 $0xFFFFD800  }
0x7b: {  	v2 =	vld [tilespmem:s24+$0x14880];
	_ =	sdelay $0x7  }
0x7c: {  	[tilespmem:v2+s28+$0x0] =	vst.idx.add.f32.msk $0xffff, v1  }
0x7d: {  	v2 =	vld [tilespmem:s24+$0x14890];
	_ =	sdelay $0x7  }
0x7e: {  	[tilespmem:v2+s28+$0x0] =	vst.idx.add.f32.msk $0xffff, v1  }
0x7f: {  	v2 =	vld [tilespmem:s24+$0x148A0];
	_ =	sdelay $0x7  }
0x80: {  	[tilespmem:v2+s28+$0x0] =	vst.idx.add.f32.msk $0xffff, v1  }
0x81: {  	v2 =	vld [tilespmem:s24+$0x148B0];
	_ =	sdelay $0x7  }
0x82: {  	[tilespmem:v2+s28+$0x0] =	vst.idx.add.f32.msk $0xffff, v1  }
0x83: {  	v2 =	vld [tilespmem:s24+$0x148C0];
	_ =	sdelay $0x7  }
0x84: {  	[tilespmem:v2+s28+$0x0] =	vst.idx.add.f32.msk $0xffff, v1  }
0x85: {  	_ =	swait.ge [sflag:s5], $0x1400  }
0x86: {  	[sflag:s5] =	ssyncset.done $0x0  }
0x87: {  	[sflag:s5] =	ssyncadd.s32 $0xFFFFEC00  }
0x88: {  	_ =	swait.ge [sflag:s19], $0x1400  }
0x89: {  	[sflag:s19] =	ssyncset.done $0x0  }
0x8a: {  	s23 =	sadd.s32 $0x13A00, s24;
	[sflag:s19] =	ssyncadd.s32 $0xFFFFEC00  }
0x8b: {  	[tilespmem:s29], [sflag:$0x1] =	stream.indirect.gather [hbm4b:s1+s0], $0x80, s23, s0, $0xb8;
	[tilespmem:$0x1F800] =	vst v63  }
0x8c: {  	s8 =	sadd.s32 $0x13A28, s24  }
0x8d: {  	[tilespmem:s9], [sflag:$0x2] =	stream.indirect.gather [hbm4b:s1+s0], $0x80, s8, s0, $0xb8;
	[tilespmem:$0x1F800] =	vst v63  }
0x8e: {  	s10 =	sadd.s32 $0x14900, s24  }
0x8f: {  	[spmem:s4] =	stream.indirect.scatter.add.f32 [tilespmem:s11], [sflag:$0xA], $0x80, s10, s16, $0xb8;
	[tilespmem:$0x1F800] =	vst v63  }
0x90: {  	_ =	swait.ge [sflag:s30], $0x2800  }
0x91: {  	[sflag:s30] =	ssyncset.done $0x0  }
0x92: {  	[sflag:s30] =	ssyncadd.s32 $0xFFFFD800  }
0x93: {  	v2 =	vld [tilespmem:s24+$0x14900];
	_ =	sdelay $0x7  }
0x94: {  	[tilespmem:v2+s28+$0x0] =	vst.idx.add.f32.msk $0xffff, v1  }
0x95: {  	v2 =	vld [tilespmem:s24+$0x14910];
	_ =	sdelay $0x7  }
0x96: {  	[tilespmem:v2+s28+$0x0] =	vst.idx.add.f32.msk $0xffff, v1  }
0x97: {  	v2 =	vld [tilespmem:s24+$0x14920];
	_ =	sdelay $0x7  }
0x98: {  	[tilespmem:v2+s28+$0x0] =	vst.idx.add.f32.msk $0xffff, v1  }
0x99: {  	v2 =	vld [tilespmem:s24+$0x14930];
	_ =	sdelay $0x7  }
0x9a: {  	[tilespmem:v2+s28+$0x0] =	vst.idx.add.f32.msk $0xffff, v1  }
0x9b: {  	v2 =	vld [tilespmem:s24+$0x14940];
	_ =	sdelay $0x7  }
0x9c: {  	[tilespmem:v2+s28+$0x0] =	vst.idx.add.f32.msk $0xffff, v1  }
0x9d: {  	_ =	swait.ge [sflag:s20], $0x1400  }
0x9e: {  	[sflag:s20] =	ssyncset.done $0x0  }
0x9f: {  	p2 =	seq.s32 s26, $0x2A00;
	[sflag:s20] =	ssyncadd.s32 $0xFFFFEC00  }
0xa0: {  	s3 =	sshra.s32 @!p2 s26, $0x2;
	_ =	swait.ge [sflag:s21], $0x1400  }
0xa1: {  	s23 =	sadd.s32 @!p2 $0x13A80, s3;
	[sflag:s21] =	ssyncset.done $0x0  }
0xa2: {  	s8 =	simm.s32 @!p2 $0x28;
	s10 =	simm.s32 @!p2 $0x18080;
	[sflag:s21] =	ssyncadd.s32 $0xFFFFEC00  }
0xa3: {  	[tilespmem:s10], [sflag:$0x3] =	stream.indirect.gather @!p2 [hbm4b:s1+s8], $0x80, s23, s8, $0xb8;
	[tilespmem:$0x1F800] =	vst v63  }
0xa4: {  	s3 =	sadd.s32 @!p2 $0x13AA8, s3;
	s10 =	simm.s32 @!p2 $0x19480  }
0xa5: {  	[tilespmem:s10], [sflag:$0x4] =	stream.indirect.gather @!p2 [hbm4b:s1+s8], $0x80, s3, s8, $0xb8;
	[tilespmem:$0x1F800] =	vst v63  }
0xa6: {  	s23 =	sadd.s32 $0x14980, s24  }
0xa7: {  	[spmem:s4] =	stream.indirect.scatter.add.f32 [tilespmem:s17], [sflag:$0xA], $0x80, s23, s16, $0xb8;
	[tilespmem:$0x1F800] =	vst v63  }
0xa8: {  	_ =	swait.ge [sflag:s30], $0x2800  }
0xa9: {  	[sflag:s30] =	ssyncset.done $0x0  }
0xaa: {  	[sflag:s30] =	ssyncadd.s32 $0xFFFFD800  }
0xab: {  	v2 =	vld [tilespmem:s24+$0x14980];
	_ =	sdelay $0x7  }
0xac: {  	[tilespmem:v2+s28+$0x0] =	vst.idx.add.f32.msk $0xffff, v1  }
0xad: {  	v2 =	vld [tilespmem:s24+$0x14990];
	_ =	sdelay $0x7  }
0xae: {  	[tilespmem:v2+s28+$0x0] =	vst.idx.add.f32.msk $0xffff, v1  }
0xaf: {  	v2 =	vld [tilespmem:s24+$0x149A0];
	_ =	sdelay $0x7  }
0xb0: {  	[tilespmem:v2+s28+$0x0] =	vst.idx.add.f32.msk $0xffff, v1  }
0xb1: {  	v2 =	vld [tilespmem:s24+$0x149B0];
	_ =	sdelay $0x7  }
0xb2: {  	[tilespmem:v2+s28+$0x0] =	vst.idx.add.f32.msk $0xffff, v1  }
0xb3: {  	v2 =	vld [tilespmem:s24+$0x149C0];
	_ =	sdelay $0x1  }
0xb4: {  	s26 =	sadd.s32 $0x600, s26  }
0xb5: {  	p2 =	sne.s32 s26, $0x3000  }
.Ltmp1:
0xb6: {  	_ = 	snop;
	(pc) =	sbr.rel @p2 .LBB2_5-.Ltmp1, $2  }
0xb7: {  	_ =	sdelay $0x2  }
0xb8: {  	[tilespmem:v2+s28+$0x0] =	vst.idx.add.f32.msk $0xffff, v1  }
0xb9: {  	_ =	swait.ge [sflag:s14], $0x1400  }
0xba: {  	[sflag:s14] =	ssyncset.done $0x0  }
0xbb: {  	[sflag:s14] =	ssyncadd.s32 $0xFFFFEC00  }
0xbc: {  	_ =	swait.ge [sflag:s15], $0x1400  }
0xbd: {  	[sflag:s15] =	ssyncset.done $0x0  }
0xbe: {  	[sflag:s15] =	ssyncadd.s32 $0xFFFFEC00  }
0xbf: {  	[spmem:s4] =	stream.indirect.scatter.add.f32 [tilespmem:s29], [sflag:$0xA], $0x80, s22, s16, $0xb8;
	[tilespmem:$0x1F800] =	vst v63  }
0xc0: {  	_ =	swait.ge [sflag:s30], $0x2800  }
0xc1: {  	[sflag:s30] =	ssyncset.done $0x0  }
0xc2: {  	[sflag:s30] =	ssyncadd.s32 $0xFFFFD800  }
0xc3: {  	v2 =	vld [tilespmem:$0x15480];
	_ =	sdelay $0x7  }
0xc4: {  	[tilespmem:v2+s28+$0x0] =	vst.idx.add.f32.msk $0xffff, v1  }
0xc5: {  	v2 =	vld [tilespmem:$0x15490];
	_ =	sdelay $0x7  }
0xc6: {  	[tilespmem:v2+s28+$0x0] =	vst.idx.add.f32.msk $0xffff, v1  }
0xc7: {  	v2 =	vld [tilespmem:$0x154A0];
	_ =	sdelay $0x7  }
0xc8: {  	[tilespmem:v2+s28+$0x0] =	vst.idx.add.f32.msk $0xffff, v1  }
0xc9: {  	v2 =	vld [tilespmem:$0x154B0];
	_ =	sdelay $0x7  }
0xca: {  	[tilespmem:v2+s28+$0x0] =	vst.idx.add.f32.msk $0xffff, v1  }
0xcb: {  	v2 =	vld [tilespmem:$0x154C0];
	_ =	sdelay $0x2  }
0xcc: {  	p2 =	seq.s32 s25, $0x4  }
0xcd: {  	s25 =	sadd.s32 @!p2 $0x1, s25  }
0xce: {  	s3 =	sshll.u32 @!p2 s25, $0xC  }
0xcf: {  	s3 =	sadd.s32 @!p2 s6, s3  }
0xd0: {  	s3 =	sshrl.u32 @!p2 s3, $0x3  }
0xd1: {  	s8 =	simm.s32 @!p2 $0x0;
	s10 =	simm.s32 @!p2 $0x13880;
	s3 =	sadd.s32 @!p2 s7, s3;
	[tilespmem:v2+s28+$0x0] =	vst.idx.add.f32.msk $0xffff, v1  }
0xd2: {  	[tilespmem:s10], [sflag:$0x7] =	stream.linear.gather @!p2 [hbm4b:s3+s8], $0xC80, $0x38;
	[tilespmem:$0x1F800] =	vst v63  }
0xd3: {  	p3 =	sne.s32 @!p2 s25, $0x5;
	s3 =	sadd.s32 @!p2 $0x14000, s3;
	s10 =	simm.s32 @!p2 $0x14880  }
0xd4: {  	[tilespmem:s10], [sflag:$0x7] =	stream.linear.gather @!p2 [hbm4b:s3+s8], $0xC80, $0x38;
	[tilespmem:$0x1F800] =	vst v63  }
0xd5: {  	p2 =	por p2, !p3  }
.Ltmp2:
0xd6: {  	_ = 	snop;
	(pc) =	sbr.rel @!p2 .LBB2_4-.Ltmp2, $1  }
0xd7: {  	_ =	sdelay $0x3  }
0xd8: {  	s3 =	stileid.u32;
	[bflag:$0x0] =	sbarrier.arrive $0xFFFF  }
0xd9: {  	s3 =	sshll.u32 s3, $0x6;
	s8 =	rddreg [dreg:$0x10]  }
0xda: {  	s10 =	rddreg [dreg:$0x5];
	s3 =	sor.u32 $0x1C09, s3;
	s8 =	sshrl.u32 s8, $0x3  }
0xdb: {  	[hbm:s10], [sflag:s3] =	dma.local [spmem:s8], $0x500  }
0xdc: {  	s8 =	rddreg [dreg:$0x11]  }
0xdd: {  	s10 =	rddreg [dreg:$0x6];
	s8 =	sshrl.u32 s8, $0x3  }
0xde: {  	[hbm:s10], [sflag:s3] =	dma.local [spmem:s8], $0x500  }
0xdf: {  	s8 =	rddreg [dreg:$0x12]  }
0xe0: {  	s10 =	rddreg [dreg:$0x7];
	s8 =	sshrl.u32 s8, $0x3  }
0xe1: {  	[hbm:s10], [sflag:s3] =	dma.local [spmem:s8], $0x500  }
0xe2: {  	s8 =	rddreg [dreg:$0x13]  }
0xe3: {  	s10 =	rddreg [dreg:$0x8];
	s8 =	sshrl.u32 s8, $0x3  }
0xe4: {  	[hbm:s10], [sflag:s3] =	dma.local [spmem:s8], $0x500  }
0xe5: {  	s8 =	rddreg [dreg:$0x14]  }
0xe6: {  	s10 =	rddreg [dreg:$0x9];
	s8 =	sshrl.u32 s8, $0x3  }
0xe7: {  	[hbm:s10], [sflag:s3] =	dma.local [spmem:s8], $0x500  }
0xe8: {  	s26 =	rddreg [dreg:$0x15]  }
0xe9: {  	s10 =	rddreg [dreg:$0xa];
	s24 =	sshrl.u32 s26, $0x3  }
0xea: {  	[hbm:s10], [sflag:s3] =	dma.local [spmem:s24], $0x500  }
0xeb: {  	s24 =	rddreg [dreg:$0x16]  }
0xec: {  	s10 =	rddreg [dreg:$0xb];
	s25 =	sshrl.u32 s24, $0x3  }
0xed: {  	[hbm:s10], [sflag:s3] =	dma.local [spmem:s25], $0x500  }
0xee: {  	s25 =	rddreg [dreg:$0x17]  }
0xef: {  	s10 =	rddreg [dreg:$0xc];
	s8 =	sshrl.u32 @!p0 s25, $0x3  }
0xf0: {  	[hbm:s10], [sflag:s3] =	dma.local @!p0 [spmem:s8], $0x500  }
0xf1: {  	s23 =	simm.s32 $0x0;
	s3 =	rddreg [dreg:$0xe]  }
0xf2: {  	[hbm4b:s3+s23] =	stream.linear.scatter [tilespmem:s28], [sflag:$0xA], $0x2710, $0x38;
	[tilespmem:$0x1F800] =	vst v63  }
0xf3: {  	_ =	swait.ge [sflag:s30], $0x2710  }
0xf4: {  	[sflag:s30] =	ssyncset.done $0x0  }
0xf5: {  	s10 =	simm.s32 $0x9;
	[sflag:s30] =	ssyncadd.s32 $0xFFFFD8F0  }
0xf6: {  	_ =	swait.ge [sflag:s10], $0x500  }
0xf7: {  	[sflag:s10] =	ssyncset.done $0x0  }
0xf8: {  	[sflag:s10] =	ssyncadd.s32 $0xFFFFFB00  }
0xf9: {  	_ =	swait.ge [sflag:s10], $0x500  }
0xfa: {  	[sflag:s10] =	ssyncset.done $0x0  }
0xfb: {  	[sflag:s10] =	ssyncadd.s32 $0xFFFFFB00  }
0xfc: {  	_ =	swait.ge [sflag:s10], $0x500  }
0xfd: {  	[sflag:s10] =	ssyncset.done $0x0  }
0xfe: {  	[sflag:s10] =	ssyncadd.s32 $0xFFFFFB00  }
0xff: {  	_ =	swait.ge [sflag:s10], $0x500  }
0x100: {  	[sflag:s10] =	ssyncset.done $0x0  }
0x101: {  	[sflag:s10] =	ssyncadd.s32 $0xFFFFFB00  }
0x102: {  	_ =	swait.ge [sflag:s10], $0x500  }
0x103: {  	[sflag:s10] =	ssyncset.done $0x0  }
0x104: {  	[sflag:s10] =	ssyncadd.s32 $0xFFFFFB00  }
0x105: {  	_ =	swait.ge [sflag:s10], $0x500  }
0x106: {  	[sflag:s10] =	ssyncset.done $0x0  }
0x107: {  	[sflag:s10] =	ssyncadd.s32 $0xFFFFFB00  }
0x108: {  	_ =	swait.ge [sflag:s10], $0x500  }
0x109: {  	[sflag:s10] =	ssyncset.done $0x0  }
0x10a: {  	s3 =	simm.s32 @!p1 $0x9;
	[sflag:s10] =	ssyncadd.s32 $0xFFFFFB00  }
0x10b: {  	_ =	swait.ge @!p1 [sflag:s3], $0x500  }
0x10c: {  	s8 =	rddreg [dreg:$0x19]  }
0x10d: {  	s10 =	sadd.s32 $0x1, s8;
	s8 =	rddreg [dreg:$0xf]  }
0x10e: {  	p2 =	sne.s32 s10, s8  }
.Ltmp3:
0x10f: {  	_ = 	snop;
	(pc) =	sbr.rel @p2 .LBB2_1-.Ltmp3, $3  }
0x110: {  	_ =	sdelay $0x1  }
0x111: {  	[sflag:s3] =	ssyncset.done @!p1 $0x0;
	[dreg:$0x19] =	wrdreg s10  }
0x112: {  	[sflag:s3] =	ssyncadd.s32 @!p1 $0xFFFFFB00;
	s10 =	rddreg [dreg:$0x10];
	s8 =	smov.u32 s24  }
0x113: {  	_ =	sfence.sel $0x180000  }
0x114: {  	[bflag:$0x0] =	sbarrier.arrive $0xFFFF  }
0x115: {  	_ =	strace $0x90000047  }
0x116: {  	s0 =	stileid.u32;
	[bflag:$0x2] =	sbarrier.arrive $0xFFFF  }
0x117: {  	p0 =	sne.s32 s0, $0x0;
	s0 =	rddreg [dreg:$0x4]  }
0x118: {  	s0 =	sadd.s32 @!p0 $0x100000, s0  }
0x119: {  	[sflag:s0] =	ssyncadd.tile.s32 @!p0 $0x1;
	_ =	shalt  }
.Lfunc_end2:
_tile_overlayer_lowered:
.L_overlay_start_2:
0x11a: {  	(tag) =	ssettag $0x2  }
0x11b: {  	s0 =	rddreg [dreg:$0x0];
	s2 =	stileid.u32  }
0x11c: {  	s1 =	rddreg [dreg:$0x1];
	p0 =	sne.s32 s2, $0x0  }
0x11d: {  	s3 =	rddreg [dreg:$0x2];
	[bflag:$0x3] =	sbarrier.arrive $0xFFFF;
	s2 =	simm.s32 @!p0 $0x1C0A  }
0x11e: {  	[timem:s3], [sflag:s2] =	dma.local @!p0 [hbm:s0], s1  }
0x11f: {  	s0 =	simm.s32 @!p0 $0xA  }
0x120: {  	_ =	swait.ge @!p0 [sflag:s0], s1  }
0x121: {  	s1 =	ssub.s32 @!p0 $0x0, s1;
	[sflag:s0] =	ssyncset.done @!p0 $0x0  }
0x122: {  	[sflag:s0] =	ssyncadd.s32 @!p0 s1  }
0x123: {  	[bflag:$0x3] =	sbarrier.arrive $0xFFFF  }
0x124: {  	_ =	shalt  }

</sc_bundles>
